<compile_context>
chip_gen: v7x
topology: tpu7x:2x2x1
jax: 0.10.2.dev20260603
libtpu: 0.0.44.dev20260713+nightly
codegen_flags: <defaults>
</compile_context>

<pallas_src>
import functools

import jax
import jax.numpy as jnp
from jax import lax
from jax.experimental import pallas as pl
from jax.experimental.pallas import tpu as pltpu
from jax.experimental.pallas import tpu_sc as plsc

_NB = 16
_LANES = 128


@functools.lru_cache(maxsize=None)
def _make_lookup(V, D, B):
    info = plsc.get_sparse_core_info()
    NC, NS = info.num_cores, info.num_subcores
    NW = NC * NS
    assert B % (8 * NW) == 0, (B, NW)
    b_per_w = B // NW
    n_groups = b_per_w // _NB
    assert b_per_w % _NB == 0
    mesh = plsc.VectorSubcoreMesh(core_axis_name="c", subcore_axis_name="s")

    @functools.partial(
        pl.kernel,
        mesh=mesh,
        compiler_params=pltpu.CompilerParams(needs_layout_passes=False),
        out_type=jax.ShapeDtypeStruct((D, B), jnp.float32),
        scratch_types=[
            pltpu.VMEM((b_per_w,), jnp.int32),
            pltpu.VMEM((_NB, D, _LANES), jnp.float32),
            pltpu.VMEM((D, b_per_w), jnp.float32),
            [pltpu.SemaphoreType.DMA] * _NB,
        ],
    )
    def k(tT_hbm, idx_hbm, out_hbm, idx_v, tbuf, cols_v, sems):
        wid = lax.axis_index("s") * NC + lax.axis_index("c")
        base = wid * b_per_w
        pltpu.sync_copy(idx_hbm.at[pl.ds(base, b_per_w)], idx_v)

        c_lo = lax.iota(jnp.int32, 16)
        c_hi = c_lo + 16

        def fetch(r, slot):
            t_off = pl.multiple_of((r >> 7) << 7, _LANES)
            pltpu.async_copy(
                tT_hbm.at[:, pl.ds(t_off, _LANES)], tbuf.at[slot], sems[slot]
            )

        def drain(slot):
            pltpu.make_async_copy(
                tT_hbm.at[:, pl.ds(0, _LANES)], tbuf.at[slot], sems[slot]
            ).wait()

        def select(r, slot, j):
            l_splat = jnp.full((16,), r & 127, jnp.int32)
            j_splat = jnp.full((16,), j, jnp.int32)
            lo = plsc.load_gather(tbuf.at[slot], [c_lo, l_splat])
            hi = plsc.load_gather(tbuf.at[slot], [c_hi, l_splat])
            plsc.store_scatter(cols_v, [c_lo, j_splat], lo)
            plsc.store_scatter(cols_v, [c_hi, j_splat], hi)

        rv0 = idx_v[pl.ds(0, _NB)]
        for s in range(_NB):
            fetch(rv0[s], s)

        @pl.loop(0, n_groups)
        def group(g):
            j0 = g * _NB
            rv = idx_v[pl.ds(j0, _NB)]
            rv_next = idx_v[pl.ds(jnp.minimum(j0 + _NB, b_per_w - _NB), _NB)]
            for s in range(_NB):
                drain(s)
                select(rv[s], s, j0 + s)

                @pl.when(g + 1 < n_groups)
                def _():
                    fetch(rv_next[s], s)

        pltpu.sync_copy(cols_v, out_hbm.at[:, pl.ds(base, b_per_w)])

    return k


def kernel(node_vecs, country_idx):
    V, D = node_vecs.shape
    B = country_idx.shape[0]
    idx = country_idx.reshape(B).astype(jnp.int32)
    outT = _make_lookup(V, D, B)(node_vecs.T, idx)
    return outT.T

# --- scband reference (transcript-rebuilt; emitter-appended) ---
"""Pipeline reference for scband-country-lookup-70119636075001 (READ-ONLY COPY).

The authoritative reference and input builder live on the scoring server;
editing this copy changes nothing except your own understanding.
"""

import jax, jax.numpy as jnp
import numpy as np

def setup_inputs(seed: int = 0) -> dict:
    key = jax.random.key(seed)
    k1, k2 = jax.random.split(key)
    node_vecs = jax.random.normal(k1, (1000000, 32), dtype=jnp.float32)
    country_idx = jax.random.randint(k2, (16384, 1), 0, 1000000, dtype=jnp.int64 if jax.config.jax_enable_x64 else jnp.int32)
    return {"node_vecs": node_vecs, "country_idx": country_idx}

def reference(node_vecs, country_idx):
    idx = jnp.squeeze(country_idx, axis=-1)
    return jnp.take(node_vecs, idx, axis=0)

if __name__ == "__main__":
    import jax
    _d = setup_inputs()
    print(jax.jit(kernel)(*tuple(_d.values())))

</pallas_src>

<mosaic_0001>
#map = affine_map<(d0, d1) -> (0, 0)>
#map1 = affine_map<(d0, d1) -> (0)>
module attributes {stable_mosaic.version = 14 : i64} {
  func.func @k(%arg0: i32, %arg1: i32, %arg2: memref<32x1000000xf32, #tpu.memory_space<hbm>>, %arg3: memref<16384xi32, #tpu.memory_space<hbm>>, %arg4: memref<32x16384xf32, #tpu.memory_space<hbm>>, %arg5: memref<512xi32, #tpu.memory_space<vmem>>, %arg6: memref<16x32x128xf32, #tpu.memory_space<vmem>>, %arg7: memref<32x512xf32, #tpu.memory_space<vmem>>, %arg8: memref<!tpu.dma_semaphore, #tpu.memory_space<semaphore_mem>>, %arg9: memref<!tpu.dma_semaphore, #tpu.memory_space<semaphore_mem>>, %arg10: memref<!tpu.dma_semaphore, #tpu.memory_space<semaphore_mem>>, %arg11: memref<!tpu.dma_semaphore, #tpu.memory_space<semaphore_mem>>, %arg12: memref<!tpu.dma_semaphore, #tpu.memory_space<semaphore_mem>>, %arg13: memref<!tpu.dma_semaphore, #tpu.memory_space<semaphore_mem>>, %arg14: memref<!tpu.dma_semaphore, #tpu.memory_space<semaphore_mem>>, %arg15: memref<!tpu.dma_semaphore, #tpu.memory_space<semaphore_mem>>, %arg16: memref<!tpu.dma_semaphore, #tpu.memory_space<semaphore_mem>>, %arg17: memref<!tpu.dma_semaphore, #tpu.memory_space<semaphore_mem>>, %arg18: memref<!tpu.dma_semaphore, #tpu.memory_space<semaphore_mem>>, %arg19: memref<!tpu.dma_semaphore, #tpu.memory_space<semaphore_mem>>, %arg20: memref<!tpu.dma_semaphore, #tpu.memory_space<semaphore_mem>>, %arg21: memref<!tpu.dma_semaphore, #tpu.memory_space<semaphore_mem>>, %arg22: memref<!tpu.dma_semaphore, #tpu.memory_space<semaphore_mem>>, %arg23: memref<!tpu.dma_semaphore, #tpu.memory_space<semaphore_mem>>) attributes {dimension_semantics = [#tpu.dimension_semantics<core_parallel>, #tpu.dimension_semantics<subcore_parallel>], iteration_bounds = array<i64: 2, 16>, scalar_prefetch = 0 : i64, scratch_operands = 19 : i64, tpu.core_type = #tpu.core_type<sc_vector_subcore>, window_params = [{transform_indices = #map}, {transform_indices = #map1}, {transform_indices = #map}]} {
    %mul3A = arith.constant 2 : i32
    %mul3A_0 = arith.muli %arg1, %mul3A : i32
    %add3A = arith.addi %mul3A_0, %arg0 : i32
    %mul3A_1 = arith.constant 512 : i32
    %mul3A_2 = arith.muli %add3A, %mul3A_1 : i32
    "tpu.region"() ({
      %run_scoped3A = tpu.sem_alloc : memref<!tpu.dma_semaphore, #tpu.memory_space<semaphore_mem>>
      %dma_start3A_325 = tpu.memref_slice %arg3[%mul3A_2] : memref<16384xi32, #tpu.memory_space<hbm>> -> memref<512xi32, #tpu.memory_space<hbm>>
      %dma_start3A_326 = tpu.memref_slice %arg3[%mul3A_2] : memref<16384xi32, #tpu.memory_space<hbm>> -> memref<512xi32, #tpu.memory_space<hbm>>
      tpu.enqueue_dma source(%dma_start3A_326 : memref<512xi32, #tpu.memory_space<hbm>>) target(%arg5 : memref<512xi32, #tpu.memory_space<vmem>>) target_semaphore(%run_scoped3A : memref<!tpu.dma_semaphore, #tpu.memory_space<semaphore_mem>>)
      %dma_wait3A = tpu.memref_slice %arg3[%mul3A_2] : memref<16384xi32, #tpu.memory_space<hbm>> -> memref<512xi32, #tpu.memory_space<hbm>>
      %dma_wait3A_327 = tpu.memref_slice %arg3[%mul3A_2] : memref<16384xi32, #tpu.memory_space<hbm>> -> memref<512xi32, #tpu.memory_space<hbm>>
      tpu.wait_dma2 semaphore(%run_scoped3A : memref<!tpu.dma_semaphore, #tpu.memory_space<semaphore_mem>>) src(%dma_wait3A_327 : memref<512xi32, #tpu.memory_space<hbm>>) dst(%arg5 : memref<512xi32, #tpu.memory_space<vmem>>)
      tpu.yield
    }) : () -> ()
    %iota3A = tpu.iota {dimensions = array<i32: 0>} : vector<16xi32>
    %add3A_3 = arith.constant 16 : i32
    %add3A_4 = vector.broadcast %add3A_3 : i32 to vector<16xi32>
    %add3A_5 = arith.addi %iota3A, %add3A_4 : vector<16xi32>
    %get3A = arith.constant 0 : index
    %get3A_6 = tpu.vector_load %arg5[%get3A] {strides = array<i32>} : memref<512xi32, #tpu.memory_space<vmem>>, vector<16xi32>,
    %slice3A = vector.extract_strided_slice %get3A_6 {offsets = [0], sizes = [1], strides = [1]} : vector<16xi32> to vector<1xi32>
    %squeeze3A = vector.extract %slice3A[0] : i32 from vector<1xi32>
    %shift_right_arithmetic3A = arith.constant 7 : i32
    %shift_right_arithmetic3A_7 = arith.shrsi %squeeze3A, %shift_right_arithmetic3A : i32
    %shift_left3A = arith.constant 7 : i32
    %shift_left3A_8 = arith.shli %shift_right_arithmetic3A_7, %shift_left3A : i32
    %multiple_of3A = tpu.assume_multiple %shift_left3A_8, 128 : i32
    %dma_start3A = arith.constant 0 : i32
    %dma_start3A_9 = arith.constant 0 : i32
    %dma_start3A_10 = arith.constant 0 : i32
    %dma_start3A_11 = tpu.memref_slice %arg6[%dma_start3A, %dma_start3A_9, %dma_start3A_10] : memref<16x32x128xf32, #tpu.memory_space<vmem>> -> memref<1x32x128xf32, #tpu.memory_space<vmem>>
    %dma_start3A_12 = tpu.memref_squeeze %dma_start3A_11 : memref<1x32x128xf32, #tpu.memory_space<vmem>> -> memref<32x128xf32, #tpu.memory_space<vmem>>
    %dma_start3A_13 = arith.constant 0 : i32
    %dma_start3A_14 = tpu.memref_slice %arg2[%dma_start3A_13, %multiple_of3A] : memref<32x1000000xf32, #tpu.memory_space<hbm>> -> memref<32x128xf32, #tpu.memory_space<hbm>>
    %dma_start3A_15 = arith.constant 0 : i32
    %dma_start3A_16 = arith.constant 0 : i32
    %dma_start3A_17 = tpu.memref_slice %arg6[%dma_start3A, %dma_start3A_15, %dma_start3A_16] : memref<16x32x128xf32, #tpu.memory_space<vmem>> -> memref<1x32x128xf32, #tpu.memory_space<vmem>>
    %dma_start3A_18 = tpu.memref_squeeze %dma_start3A_17 : memref<1x32x128xf32, #tpu.memory_space<vmem>> -> memref<32x128xf32, #tpu.memory_space<vmem>>
    %dma_start3A_19 = arith.constant 0 : i32
    %dma_start3A_20 = tpu.memref_slice %arg2[%dma_start3A_19, %multiple_of3A] : memref<32x1000000xf32, #tpu.memory_space<hbm>> -> memref<32x128xf32, #tpu.memory_space<hbm>>
    tpu.enqueue_dma source(%dma_start3A_20 : memref<32x128xf32, #tpu.memory_space<hbm>>) target(%dma_start3A_18 : memref<32x128xf32, #tpu.memory_space<vmem>>) target_semaphore(%arg8 : memref<!tpu.dma_semaphore, #tpu.memory_space<semaphore_mem>>)
    %slice3A_21 = vector.extract_strided_slice %get3A_6 {offsets = [1], sizes = [1], strides = [1]} : vector<16xi32> to vector<1xi32>
    %squeeze3A_22 = vector.extract %slice3A_21[0] : i32 from vector<1xi32>
    %shift_right_arithmetic3A_23 = arith.constant 7 : i32
    %shift_right_arithmetic3A_24 = arith.shrsi %squeeze3A_22, %shift_right_arithmetic3A_23 : i32
    %shift_left3A_25 = arith.constant 7 : i32
    %shift_left3A_26 = arith.shli %shift_right_arithmetic3A_24, %shift_left3A_25 : i32
    %multiple_of3A_27 = tpu.assume_multiple %shift_left3A_26, 128 : i32
    %dma_start3A_28 = arith.constant 1 : i32
    %dma_start3A_29 = arith.constant 0 : i32
    %dma_start3A_30 = arith.constant 0 : i32
    %dma_start3A_31 = tpu.memref_slice %arg6[%dma_start3A_28, %dma_start3A_29, %dma_start3A_30] : memref<16x32x128xf32, #tpu.memory_space<vmem>> -> memref<1x32x128xf32, #tpu.memory_space<vmem>>
    %dma_start3A_32 = tpu.memref_squeeze %dma_start3A_31 : memref<1x32x128xf32, #tpu.memory_space<vmem>> -> memref<32x128xf32, #tpu.memory_space<vmem>>
    %dma_start3A_33 = arith.constant 0 : i32
    %dma_start3A_34 = tpu.memref_slice %arg2[%dma_start3A_33, %multiple_of3A_27] : memref<32x1000000xf32, #tpu.memory_space<hbm>> -> memref<32x128xf32, #tpu.memory_space<hbm>>
    %dma_start3A_35 = arith.constant 0 : i32
    %dma_start3A_36 = arith.constant 0 : i32
    %dma_start3A_37 = tpu.memref_slice %arg6[%dma_start3A_28, %dma_start3A_35, %dma_start3A_36] : memref<16x32x128xf32, #tpu.memory_space<vmem>> -> memref<1x32x128xf32, #tpu.memory_space<vmem>>
    %dma_start3A_38 = tpu.memref_squeeze %dma_start3A_37 : memref<1x32x128xf32, #tpu.memory_space<vmem>> -> memref<32x128xf32, #tpu.memory_space<vmem>>
    %dma_start3A_39 = arith.constant 0 : i32
    %dma_start3A_40 = tpu.memref_slice %arg2[%dma_start3A_39, %multiple_of3A_27] : memref<32x1000000xf32, #tpu.memory_space<hbm>> -> memref<32x128xf32, #tpu.memory_space<hbm>>
    tpu.enqueue_dma source(%dma_start3A_40 : memref<32x128xf32, #tpu.memory_space<hbm>>) target(%dma_start3A_38 : memref<32x128xf32, #tpu.memory_space<vmem>>) target_semaphore(%arg9 : memref<!tpu.dma_semaphore, #tpu.memory_space<semaphore_mem>>)
    %slice3A_41 = vector.extract_strided_slice %get3A_6 {offsets = [2], sizes = [1], strides = [1]} : vector<16xi32> to vector<1xi32>
    %squeeze3A_42 = vector.extract %slice3A_41[0] : i32 from vector<1xi32>
    %shift_right_arithmetic3A_43 = arith.constant 7 : i32
    %shift_right_arithmetic3A_44 = arith.shrsi %squeeze3A_42, %shift_right_arithmetic3A_43 : i32
    %shift_left3A_45 = arith.constant 7 : i32
    %shift_left3A_46 = arith.shli %shift_right_arithmetic3A_44, %shift_left3A_45 : i32
    %multiple_of3A_47 = tpu.assume_multiple %shift_left3A_46, 128 : i32
    %dma_start3A_48 = arith.constant 2 : i32
    %dma_start3A_49 = arith.constant 0 : i32
    %dma_start3A_50 = arith.constant 0 : i32
    %dma_start3A_51 = tpu.memref_slice %arg6[%dma_start3A_48, %dma_start3A_49, %dma_start3A_50] : memref<16x32x128xf32, #tpu.memory_space<vmem>> -> memref<1x32x128xf32, #tpu.memory_space<vmem>>
    %dma_start3A_52 = tpu.memref_squeeze %dma_start3A_51 : memref<1x32x128xf32, #tpu.memory_space<vmem>> -> memref<32x128xf32, #tpu.memory_space<vmem>>
    %dma_start3A_53 = arith.constant 0 : i32
    %dma_start3A_54 = tpu.memref_slice %arg2[%dma_start3A_53, %multiple_of3A_47] : memref<32x1000000xf32, #tpu.memory_space<hbm>> -> memref<32x128xf32, #tpu.memory_space<hbm>>
    %dma_start3A_55 = arith.constant 0 : i32
    %dma_start3A_56 = arith.constant 0 : i32
    %dma_start3A_57 = tpu.memref_slice %arg6[%dma_start3A_48, %dma_start3A_55, %dma_start3A_56] : memref<16x32x128xf32, #tpu.memory_space<vmem>> -> memref<1x32x128xf32, #tpu.memory_space<vmem>>
    %dma_start3A_58 = tpu.memref_squeeze %dma_start3A_57 : memref<1x32x128xf32, #tpu.memory_space<vmem>> -> memref<32x128xf32, #tpu.memory_space<vmem>>
    %dma_start3A_59 = arith.constant 0 : i32
    %dma_start3A_60 = tpu.memref_slice %arg2[%dma_start3A_59, %multiple_of3A_47] : memref<32x1000000xf32, #tpu.memory_space<hbm>> -> memref<32x128xf32, #tpu.memory_space<hbm>>
    tpu.enqueue_dma source(%dma_start3A_60 : memref<32x128xf32, #tpu.memory_space<hbm>>) target(%dma_start3A_58 : memref<32x128xf32, #tpu.memory_space<vmem>>) target_semaphore(%arg10 : memref<!tpu.dma_semaphore, #tpu.memory_space<semaphore_mem>>)
    %slice3A_61 = vector.extract_strided_slice %get3A_6 {offsets = [3], sizes = [1], strides = [1]} : vector<16xi32> to vector<1xi32>
    %squeeze3A_62 = vector.extract %slice3A_61[0] : i32 from vector<1xi32>
    %shift_right_arithmetic3A_63 = arith.constant 7 : i32
    %shift_right_arithmetic3A_64 = arith.shrsi %squeeze3A_62, %shift_right_arithmetic3A_63 : i32
    %shift_left3A_65 = arith.constant 7 : i32
    %shift_left3A_66 = arith.shli %shift_right_arithmetic3A_64, %shift_left3A_65 : i32
    %multiple_of3A_67 = tpu.assume_multiple %shift_left3A_66, 128 : i32
    %dma_start3A_68 = arith.constant 3 : i32
    %dma_start3A_69 = arith.constant 0 : i32
    %dma_start3A_70 = arith.constant 0 : i32
    %dma_start3A_71 = tpu.memref_slice %arg6[%dma_start3A_68, %dma_start3A_69, %dma_start3A_70] : memref<16x32x128xf32, #tpu.memory_space<vmem>> -> memref<1x32x128xf32, #tpu.memory_space<vmem>>
    %dma_start3A_72 = tpu.memref_squeeze %dma_start3A_71 : memref<1x32x128xf32, #tpu.memory_space<vmem>> -> memref<32x128xf32, #tpu.memory_space<vmem>>
    %dma_start3A_73 = arith.constant 0 : i32
    %dma_start3A_74 = tpu.memref_slice %arg2[%dma_start3A_73, %multiple_of3A_67] : memref<32x1000000xf32, #tpu.memory_space<hbm>> -> memref<32x128xf32, #tpu.memory_space<hbm>>
    %dma_start3A_75 = arith.constant 0 : i32
    %dma_start3A_76 = arith.constant 0 : i32
    %dma_start3A_77 = tpu.memref_slice %arg6[%dma_start3A_68, %dma_start3A_75, %dma_start3A_76] : memref<16x32x128xf32, #tpu.memory_space<vmem>> -> memref<1x32x128xf32, #tpu.memory_space<vmem>>
    %dma_start3A_78 = tpu.memref_squeeze %dma_start3A_77 : memref<1x32x128xf32, #tpu.memory_space<vmem>> -> memref<32x128xf32, #tpu.memory_space<vmem>>
    %dma_start3A_79 = arith.constant 0 : i32
    %dma_start3A_80 = tpu.memref_slice %arg2[%dma_start3A_79, %multiple_of3A_67] : memref<32x1000000xf32, #tpu.memory_space<hbm>> -> memref<32x128xf32, #tpu.memory_space<hbm>>
    tpu.enqueue_dma source(%dma_start3A_80 : memref<32x128xf32, #tpu.memory_space<hbm>>) target(%dma_start3A_78 : memref<32x128xf32, #tpu.memory_space<vmem>>) target_semaphore(%arg11 : memref<!tpu.dma_semaphore, #tpu.memory_space<semaphore_mem>>)
    %slice3A_81 = vector.extract_strided_slice %get3A_6 {offsets = [4], sizes = [1], strides = [1]} : vector<16xi32> to vector<1xi32>
    %squeeze3A_82 = vector.extract %slice3A_81[0] : i32 from vector<1xi32>
    %shift_right_arithmetic3A_83 = arith.constant 7 : i32
    %shift_right_arithmetic3A_84 = arith.shrsi %squeeze3A_82, %shift_right_arithmetic3A_83 : i32
    %shift_left3A_85 = arith.constant 7 : i32
    %shift_left3A_86 = arith.shli %shift_right_arithmetic3A_84, %shift_left3A_85 : i32
    %multiple_of3A_87 = tpu.assume_multiple %shift_left3A_86, 128 : i32
    %dma_start3A_88 = arith.constant 4 : i32
    %dma_start3A_89 = arith.constant 0 : i32
    %dma_start3A_90 = arith.constant 0 : i32
    %dma_start3A_91 = tpu.memref_slice %arg6[%dma_start3A_88, %dma_start3A_89, %dma_start3A_90] : memref<16x32x128xf32, #tpu.memory_space<vmem>> -> memref<1x32x128xf32, #tpu.memory_space<vmem>>
    %dma_start3A_92 = tpu.memref_squeeze %dma_start3A_91 : memref<1x32x128xf32, #tpu.memory_space<vmem>> -> memref<32x128xf32, #tpu.memory_space<vmem>>
    %dma_start3A_93 = arith.constant 0 : i32
    %dma_start3A_94 = tpu.memref_slice %arg2[%dma_start3A_93, %multiple_of3A_87] : memref<32x1000000xf32, #tpu.memory_space<hbm>> -> memref<32x128xf32, #tpu.memory_space<hbm>>
    %dma_start3A_95 = arith.constant 0 : i32
    %dma_start3A_96 = arith.constant 0 : i32
    %dma_start3A_97 = tpu.memref_slice %arg6[%dma_start3A_88, %dma_start3A_95, %dma_start3A_96] : memref<16x32x128xf32, #tpu.memory_space<vmem>> -> memref<1x32x128xf32, #tpu.memory_space<vmem>>
    %dma_start3A_98 = tpu.memref_squeeze %dma_start3A_97 : memref<1x32x128xf32, #tpu.memory_space<vmem>> -> memref<32x128xf32, #tpu.memory_space<vmem>>
    %dma_start3A_99 = arith.constant 0 : i32
    %dma_start3A_100 = tpu.memref_slice %arg2[%dma_start3A_99, %multiple_of3A_87] : memref<32x1000000xf32, #tpu.memory_space<hbm>> -> memref<32x128xf32, #tpu.memory_space<hbm>>
    tpu.enqueue_dma source(%dma_start3A_100 : memref<32x128xf32, #tpu.memory_space<hbm>>) target(%dma_start3A_98 : memref<32x128xf32, #tpu.memory_space<vmem>>) target_semaphore(%arg12 : memref<!tpu.dma_semaphore, #tpu.memory_space<semaphore_mem>>)
    %slice3A_101 = vector.extract_strided_slice %get3A_6 {offsets = [5], sizes = [1], strides = [1]} : vector<16xi32> to vector<1xi32>
    %squeeze3A_102 = vector.extract %slice3A_101[0] : i32 from vector<1xi32>
    %shift_right_arithmetic3A_103 = arith.constant 7 : i32
    %shift_right_arithmetic3A_104 = arith.shrsi %squeeze3A_102, %shift_right_arithmetic3A_103 : i32
    %shift_left3A_105 = arith.constant 7 : i32
    %shift_left3A_106 = arith.shli %shift_right_arithmetic3A_104, %shift_left3A_105 : i32
    %multiple_of3A_107 = tpu.assume_multiple %shift_left3A_106, 128 : i32
    %dma_start3A_108 = arith.constant 5 : i32
    %dma_start3A_109 = arith.constant 0 : i32
    %dma_start3A_110 = arith.constant 0 : i32
    %dma_start3A_111 = tpu.memref_slice %arg6[%dma_start3A_108, %dma_start3A_109, %dma_start3A_110] : memref<16x32x128xf32, #tpu.memory_space<vmem>> -> memref<1x32x128xf32, #tpu.memory_space<vmem>>
    %dma_start3A_112 = tpu.memref_squeeze %dma_start3A_111 : memref<1x32x128xf32, #tpu.memory_space<vmem>> -> memref<32x128xf32, #tpu.memory_space<vmem>>
    %dma_start3A_113 = arith.constant 0 : i32
    %dma_start3A_114 = tpu.memref_slice %arg2[%dma_start3A_113, %multiple_of3A_107] : memref<32x1000000xf32, #tpu.memory_space<hbm>> -> memref<32x128xf32, #tpu.memory_space<hbm>>
    %dma_start3A_115 = arith.constant 0 : i32
    %dma_start3A_116 = arith.constant 0 : i32
    %dma_start3A_117 = tpu.memref_slice %arg6[%dma_start3A_108, %dma_start3A_115, %dma_start3A_116] : memref<16x32x128xf32, #tpu.memory_space<vmem>> -> memref<1x32x128xf32, #tpu.memory_space<vmem>>
    %dma_start3A_118 = tpu.memref_squeeze %dma_start3A_117 : memref<1x32x128xf32, #tpu.memory_space<vmem>> -> memref<32x128xf32, #tpu.memory_space<vmem>>
    %dma_start3A_119 = arith.constant 0 : i32
    %dma_start3A_120 = tpu.memref_slice %arg2[%dma_start3A_119, %multiple_of3A_107] : memref<32x1000000xf32, #tpu.memory_space<hbm>> -> memref<32x128xf32, #tpu.memory_space<hbm>>
    tpu.enqueue_dma source(%dma_start3A_120 : memref<32x128xf32, #tpu.memory_space<hbm>>) target(%dma_start3A_118 : memref<32x128xf32, #tpu.memory_space<vmem>>) target_semaphore(%arg13 : memref<!tpu.dma_semaphore, #tpu.memory_space<semaphore_mem>>)
    %slice3A_121 = vector.extract_strided_slice %get3A_6 {offsets = [6], sizes = [1], strides = [1]} : vector<16xi32> to vector<1xi32>
    %squeeze3A_122 = vector.extract %slice3A_121[0] : i32 from vector<1xi32>
    %shift_right_arithmetic3A_123 = arith.constant 7 : i32
    %shift_right_arithmetic3A_124 = arith.shrsi %squeeze3A_122, %shift_right_arithmetic3A_123 : i32
    %shift_left3A_125 = arith.constant 7 : i32
    %shift_left3A_126 = arith.shli %shift_right_arithmetic3A_124, %shift_left3A_125 : i32
    %multiple_of3A_127 = tpu.assume_multiple %shift_left3A_126, 128 : i32
    %dma_start3A_128 = arith.constant 6 : i32
    %dma_start3A_129 = arith.constant 0 : i32
    %dma_start3A_130 = arith.constant 0 : i32
    %dma_start3A_131 = tpu.memref_slice %arg6[%dma_start3A_128, %dma_start3A_129, %dma_start3A_130] : memref<16x32x128xf32, #tpu.memory_space<vmem>> -> memref<1x32x128xf32, #tpu.memory_space<vmem>>
    %dma_start3A_132 = tpu.memref_squeeze %dma_start3A_131 : memref<1x32x128xf32, #tpu.memory_space<vmem>> -> memref<32x128xf32, #tpu.memory_space<vmem>>
    %dma_start3A_133 = arith.constant 0 : i32
    %dma_start3A_134 = tpu.memref_slice %arg2[%dma_start3A_133, %multiple_of3A_127] : memref<32x1000000xf32, #tpu.memory_space<hbm>> -> memref<32x128xf32, #tpu.memory_space<hbm>>
    %dma_start3A_135 = arith.constant 0 : i32
    %dma_start3A_136 = arith.constant 0 : i32
    %dma_start3A_137 = tpu.memref_slice %arg6[%dma_start3A_128, %dma_start3A_135, %dma_start3A_136] : memref<16x32x128xf32, #tpu.memory_space<vmem>> -> memref<1x32x128xf32, #tpu.memory_space<vmem>>
    %dma_start3A_138 = tpu.memref_squeeze %dma_start3A_137 : memref<1x32x128xf32, #tpu.memory_space<vmem>> -> memref<32x128xf32, #tpu.memory_space<vmem>>
    %dma_start3A_139 = arith.constant 0 : i32
    %dma_start3A_140 = tpu.memref_slice %arg2[%dma_start3A_139, %multiple_of3A_127] : memref<32x1000000xf32, #tpu.memory_space<hbm>> -> memref<32x128xf32, #tpu.memory_space<hbm>>
    tpu.enqueue_dma source(%dma_start3A_140 : memref<32x128xf32, #tpu.memory_space<hbm>>) target(%dma_start3A_138 : memref<32x128xf32, #tpu.memory_space<vmem>>) target_semaphore(%arg14 : memref<!tpu.dma_semaphore, #tpu.memory_space<semaphore_mem>>)
    %slice3A_141 = vector.extract_strided_slice %get3A_6 {offsets = [7], sizes = [1], strides = [1]} : vector<16xi32> to vector<1xi32>
    %squeeze3A_142 = vector.extract %slice3A_141[0] : i32 from vector<1xi32>
    %shift_right_arithmetic3A_143 = arith.constant 7 : i32
    %shift_right_arithmetic3A_144 = arith.shrsi %squeeze3A_142, %shift_right_arithmetic3A_143 : i32
    %shift_left3A_145 = arith.constant 7 : i32
    %shift_left3A_146 = arith.shli %shift_right_arithmetic3A_144, %shift_left3A_145 : i32
    %multiple_of3A_147 = tpu.assume_multiple %shift_left3A_146, 128 : i32
    %dma_start3A_148 = arith.constant 7 : i32
    %dma_start3A_149 = arith.constant 0 : i32
    %dma_start3A_150 = arith.constant 0 : i32
    %dma_start3A_151 = tpu.memref_slice %arg6[%dma_start3A_148, %dma_start3A_149, %dma_start3A_150] : memref<16x32x128xf32, #tpu.memory_space<vmem>> -> memref<1x32x128xf32, #tpu.memory_space<vmem>>
    %dma_start3A_152 = tpu.memref_squeeze %dma_start3A_151 : memref<1x32x128xf32, #tpu.memory_space<vmem>> -> memref<32x128xf32, #tpu.memory_space<vmem>>
    %dma_start3A_153 = arith.constant 0 : i32
    %dma_start3A_154 = tpu.memref_slice %arg2[%dma_start3A_153, %multiple_of3A_147] : memref<32x1000000xf32, #tpu.memory_space<hbm>> -> memref<32x128xf32, #tpu.memory_space<hbm>>
    %dma_start3A_155 = arith.constant 0 : i32
    %dma_start3A_156 = arith.constant 0 : i32
    %dma_start3A_157 = tpu.memref_slice %arg6[%dma_start3A_148, %dma_start3A_155, %dma_start3A_156] : memref<16x32x128xf32, #tpu.memory_space<vmem>> -> memref<1x32x128xf32, #tpu.memory_space<vmem>>
    %dma_start3A_158 = tpu.memref_squeeze %dma_start3A_157 : memref<1x32x128xf32, #tpu.memory_space<vmem>> -> memref<32x128xf32, #tpu.memory_space<vmem>>
    %dma_start3A_159 = arith.constant 0 : i32
    %dma_start3A_160 = tpu.memref_slice %arg2[%dma_start3A_159, %multiple_of3A_147] : memref<32x1000000xf32, #tpu.memory_space<hbm>> -> memref<32x128xf32, #tpu.memory_space<hbm>>
    tpu.enqueue_dma source(%dma_start3A_160 : memref<32x128xf32, #tpu.memory_space<hbm>>) target(%dma_start3A_158 : memref<32x128xf32, #tpu.memory_space<vmem>>) target_semaphore(%arg15 : memref<!tpu.dma_semaphore, #tpu.memory_space<semaphore_mem>>)
    %slice3A_161 = vector.extract_strided_slice %get3A_6 {offsets = [8], sizes = [1], strides = [1]} : vector<16xi32> to vector<1xi32>
    %squeeze3A_162 = vector.extract %slice3A_161[0] : i32 from vector<1xi32>
    %shift_right_arithmetic3A_163 = arith.constant 7 : i32
    %shift_right_arithmetic3A_164 = arith.shrsi %squeeze3A_162, %shift_right_arithmetic3A_163 : i32
    %shift_left3A_165 = arith.constant 7 : i32
    %shift_left3A_166 = arith.shli %shift_right_arithmetic3A_164, %shift_left3A_165 : i32
    %multiple_of3A_167 = tpu.assume_multiple %shift_left3A_166, 128 : i32
    %dma_start3A_168 = arith.constant 8 : i32
    %dma_start3A_169 = arith.constant 0 : i32
    %dma_start3A_170 = arith.constant 0 : i32
    %dma_start3A_171 = tpu.memref_slice %arg6[%dma_start3A_168, %dma_start3A_169, %dma_start3A_170] : memref<16x32x128xf32, #tpu.memory_space<vmem>> -> memref<1x32x128xf32, #tpu.memory_space<vmem>>
    %dma_start3A_172 = tpu.memref_squeeze %dma_start3A_171 : memref<1x32x128xf32, #tpu.memory_space<vmem>> -> memref<32x128xf32, #tpu.memory_space<vmem>>
    %dma_start3A_173 = arith.constant 0 : i32
    %dma_start3A_174 = tpu.memref_slice %arg2[%dma_start3A_173, %multiple_of3A_167] : memref<32x1000000xf32, #tpu.memory_space<hbm>> -> memref<32x128xf32, #tpu.memory_space<hbm>>
    %dma_start3A_175 = arith.constant 0 : i32
    %dma_start3A_176 = arith.constant 0 : i32
    %dma_start3A_177 = tpu.memref_slice %arg6[%dma_start3A_168, %dma_start3A_175, %dma_start3A_176] : memref<16x32x128xf32, #tpu.memory_space<vmem>> -> memref<1x32x128xf32, #tpu.memory_space<vmem>>
    %dma_start3A_178 = tpu.memref_squeeze %dma_start3A_177 : memref<1x32x128xf32, #tpu.memory_space<vmem>> -> memref<32x128xf32, #tpu.memory_space<vmem>>
    %dma_start3A_179 = arith.constant 0 : i32
    %dma_start3A_180 = tpu.memref_slice %arg2[%dma_start3A_179, %multiple_of3A_167] : memref<32x1000000xf32, #tpu.memory_space<hbm>> -> memref<32x128xf32, #tpu.memory_space<hbm>>
    tpu.enqueue_dma source(%dma_start3A_180 : memref<32x128xf32, #tpu.memory_space<hbm>>) target(%dma_start3A_178 : memref<32x128xf32, #tpu.memory_space<vmem>>) target_semaphore(%arg16 : memref<!tpu.dma_semaphore, #tpu.memory_space<semaphore_mem>>)
    %slice3A_181 = vector.extract_strided_slice %get3A_6 {offsets = [9], sizes = [1], strides = [1]} : vector<16xi32> to vector<1xi32>
    %squeeze3A_182 = vector.extract %slice3A_181[0] : i32 from vector<1xi32>
    %shift_right_arithmetic3A_183 = arith.constant 7 : i32
    %shift_right_arithmetic3A_184 = arith.shrsi %squeeze3A_182, %shift_right_arithmetic3A_183 : i32
    %shift_left3A_185 = arith.constant 7 : i32
    %shift_left3A_186 = arith.shli %shift_right_arithmetic3A_184, %shift_left3A_185 : i32
    %multiple_of3A_187 = tpu.assume_multiple %shift_left3A_186, 128 : i32
    %dma_start3A_188 = arith.constant 9 : i32
    %dma_start3A_189 = arith.constant 0 : i32
    %dma_start3A_190 = arith.constant 0 : i32
    %dma_start3A_191 = tpu.memref_slice %arg6[%dma_start3A_188, %dma_start3A_189, %dma_start3A_190] : memref<16x32x128xf32, #tpu.memory_space<vmem>> -> memref<1x32x128xf32, #tpu.memory_space<vmem>>
    %dma_start3A_192 = tpu.memref_squeeze %dma_start3A_191 : memref<1x32x128xf32, #tpu.memory_space<vmem>> -> memref<32x128xf32, #tpu.memory_space<vmem>>
    %dma_start3A_193 = arith.constant 0 : i32
    %dma_start3A_194 = tpu.memref_slice %arg2[%dma_start3A_193, %multiple_of3A_187] : memref<32x1000000xf32, #tpu.memory_space<hbm>> -> memref<32x128xf32, #tpu.memory_space<hbm>>
    %dma_start3A_195 = arith.constant 0 : i32
    %dma_start3A_196 = arith.constant 0 : i32
    %dma_start3A_197 = tpu.memref_slice %arg6[%dma_start3A_188, %dma_start3A_195, %dma_start3A_196] : memref<16x32x128xf32, #tpu.memory_space<vmem>> -> memref<1x32x128xf32, #tpu.memory_space<vmem>>
    %dma_start3A_198 = tpu.memref_squeeze %dma_start3A_197 : memref<1x32x128xf32, #tpu.memory_space<vmem>> -> memref<32x128xf32, #tpu.memory_space<vmem>>
    %dma_start3A_199 = arith.constant 0 : i32
    %dma_start3A_200 = tpu.memref_slice %arg2[%dma_start3A_199, %multiple_of3A_187] : memref<32x1000000xf32, #tpu.memory_space<hbm>> -> memref<32x128xf32, #tpu.memory_space<hbm>>
    tpu.enqueue_dma source(%dma_start3A_200 : memref<32x128xf32, #tpu.memory_space<hbm>>) target(%dma_start3A_198 : memref<32x128xf32, #tpu.memory_space<vmem>>) target_semaphore(%arg17 : memref<!tpu.dma_semaphore, #tpu.memory_space<semaphore_mem>>)
    %slice3A_201 = vector.extract_strided_slice %get3A_6 {offsets = [10], sizes = [1], strides = [1]} : vector<16xi32> to vector<1xi32>
    %squeeze3A_202 = vector.extract %slice3A_201[0] : i32 from vector<1xi32>
    %shift_right_arithmetic3A_203 = arith.constant 7 : i32
    %shift_right_arithmetic3A_204 = arith.shrsi %squeeze3A_202, %shift_right_arithmetic3A_203 : i32
    %shift_left3A_205 = arith.constant 7 : i32
    %shift_left3A_206 = arith.shli %shift_right_arithmetic3A_204, %shift_left3A_205 : i32
    %multiple_of3A_207 = tpu.assume_multiple %shift_left3A_206, 128 : i32
    %dma_start3A_208 = arith.constant 10 : i32
    %dma_start3A_209 = arith.constant 0 : i32
    %dma_start3A_210 = arith.constant 0 : i32
    %dma_start3A_211 = tpu.memref_slice %arg6[%dma_start3A_208, %dma_start3A_209, %dma_start3A_210] : memref<16x32x128xf32, #tpu.memory_space<vmem>> -> memref<1x32x128xf32, #tpu.memory_space<vmem>>
    %dma_start3A_212 = tpu.memref_squeeze %dma_start3A_211 : memref<1x32x128xf32, #tpu.memory_space<vmem>> -> memref<32x128xf32, #tpu.memory_space<vmem>>
    %dma_start3A_213 = arith.constant 0 : i32
    %dma_start3A_214 = tpu.memref_slice %arg2[%dma_start3A_213, %multiple_of3A_207] : memref<32x1000000xf32, #tpu.memory_space<hbm>> -> memref<32x128xf32, #tpu.memory_space<hbm>>
    %dma_start3A_215 = arith.constant 0 : i32
    %dma_start3A_216 = arith.constant 0 : i32
    %dma_start3A_217 = tpu.memref_slice %arg6[%dma_start3A_208, %dma_start3A_215, %dma_start3A_216] : memref<16x32x128xf32, #tpu.memory_space<vmem>> -> memref<1x32x128xf32, #tpu.memory_space<vmem>>
    %dma_start3A_218 = tpu.memref_squeeze %dma_start3A_217 : memref<1x32x128xf32, #tpu.memory_space<vmem>> -> memref<32x128xf32, #tpu.memory_space<vmem>>
    %dma_start3A_219 = arith.constant 0 : i32
    %dma_start3A_220 = tpu.memref_slice %arg2[%dma_start3A_219, %multiple_of3A_207] : memref<32x1000000xf32, #tpu.memory_space<hbm>> -> memref<32x128xf32, #tpu.memory_space<hbm>>
    tpu.enqueue_dma source(%dma_start3A_220 : memref<32x128xf32, #tpu.memory_space<hbm>>) target(%dma_start3A_218 : memref<32x128xf32, #tpu.memory_space<vmem>>) target_semaphore(%arg18 : memref<!tpu.dma_semaphore, #tpu.memory_space<semaphore_mem>>)
    %slice3A_221 = vector.extract_strided_slice %get3A_6 {offsets = [11], sizes = [1], strides = [1]} : vector<16xi32> to vector<1xi32>
    %squeeze3A_222 = vector.extract %slice3A_221[0] : i32 from vector<1xi32>
    %shift_right_arithmetic3A_223 = arith.constant 7 : i32
    %shift_right_arithmetic3A_224 = arith.shrsi %squeeze3A_222, %shift_right_arithmetic3A_223 : i32
    %shift_left3A_225 = arith.constant 7 : i32
    %shift_left3A_226 = arith.shli %shift_right_arithmetic3A_224, %shift_left3A_225 : i32
    %multiple_of3A_227 = tpu.assume_multiple %shift_left3A_226, 128 : i32
    %dma_start3A_228 = arith.constant 11 : i32
    %dma_start3A_229 = arith.constant 0 : i32
    %dma_start3A_230 = arith.constant 0 : i32
    %dma_start3A_231 = tpu.memref_slice %arg6[%dma_start3A_228, %dma_start3A_229, %dma_start3A_230] : memref<16x32x128xf32, #tpu.memory_space<vmem>> -> memref<1x32x128xf32, #tpu.memory_space<vmem>>
    %dma_start3A_232 = tpu.memref_squeeze %dma_start3A_231 : memref<1x32x128xf32, #tpu.memory_space<vmem>> -> memref<32x128xf32, #tpu.memory_space<vmem>>
    %dma_start3A_233 = arith.constant 0 : i32
    %dma_start3A_234 = tpu.memref_slice %arg2[%dma_start3A_233, %multiple_of3A_227] : memref<32x1000000xf32, #tpu.memory_space<hbm>> -> memref<32x128xf32, #tpu.memory_space<hbm>>
    %dma_start3A_235 = arith.constant 0 : i32
    %dma_start3A_236 = arith.constant 0 : i32
    %dma_start3A_237 = tpu.memref_slice %arg6[%dma_start3A_228, %dma_start3A_235, %dma_start3A_236] : memref<16x32x128xf32, #tpu.memory_space<vmem>> -> memref<1x32x128xf32, #tpu.memory_space<vmem>>
    %dma_start3A_238 = tpu.memref_squeeze %dma_start3A_237 : memref<1x32x128xf32, #tpu.memory_space<vmem>> -> memref<32x128xf32, #tpu.memory_space<vmem>>
    %dma_start3A_239 = arith.constant 0 : i32
    %dma_start3A_240 = tpu.memref_slice %arg2[%dma_start3A_239, %multiple_of3A_227] : memref<32x1000000xf32, #tpu.memory_space<hbm>> -> memref<32x128xf32, #tpu.memory_space<hbm>>
    tpu.enqueue_dma source(%dma_start3A_240 : memref<32x128xf32, #tpu.memory_space<hbm>>) target(%dma_start3A_238 : memref<32x128xf32, #tpu.memory_space<vmem>>) target_semaphore(%arg19 : memref<!tpu.dma_semaphore, #tpu.memory_space<semaphore_mem>>)
    %slice3A_241 = vector.extract_strided_slice %get3A_6 {offsets = [12], sizes = [1], strides = [1]} : vector<16xi32> to vector<1xi32>
    %squeeze3A_242 = vector.extract %slice3A_241[0] : i32 from vector<1xi32>
    %shift_right_arithmetic3A_243 = arith.constant 7 : i32
    %shift_right_arithmetic3A_244 = arith.shrsi %squeeze3A_242, %shift_right_arithmetic3A_243 : i32
    %shift_left3A_245 = arith.constant 7 : i32
    %shift_left3A_246 = arith.shli %shift_right_arithmetic3A_244, %shift_left3A_245 : i32
    %multiple_of3A_247 = tpu.assume_multiple %shift_left3A_246, 128 : i32
    %dma_start3A_248 = arith.constant 12 : i32
    %dma_start3A_249 = arith.constant 0 : i32
    %dma_start3A_250 = arith.constant 0 : i32
    %dma_start3A_251 = tpu.memref_slice %arg6[%dma_start3A_248, %dma_start3A_249, %dma_start3A_250] : memref<16x32x128xf32, #tpu.memory_space<vmem>> -> memref<1x32x128xf32, #tpu.memory_space<vmem>>
    %dma_start3A_252 = tpu.memref_squeeze %dma_start3A_251 : memref<1x32x128xf32, #tpu.memory_space<vmem>> -> memref<32x128xf32, #tpu.memory_space<vmem>>
    %dma_start3A_253 = arith.constant 0 : i32
    %dma_start3A_254 = tpu.memref_slice %arg2[%dma_start3A_253, %multiple_of3A_247] : memref<32x1000000xf32, #tpu.memory_space<hbm>> -> memref<32x128xf32, #tpu.memory_space<hbm>>
    %dma_start3A_255 = arith.constant 0 : i32
    %dma_start3A_256 = arith.constant 0 : i32
    %dma_start3A_257 = tpu.memref_slice %arg6[%dma_start3A_248, %dma_start3A_255, %dma_start3A_256] : memref<16x32x128xf32, #tpu.memory_space<vmem>> -> memref<1x32x128xf32, #tpu.memory_space<vmem>>
    %dma_start3A_258 = tpu.memref_squeeze %dma_start3A_257 : memref<1x32x128xf32, #tpu.memory_space<vmem>> -> memref<32x128xf32, #tpu.memory_space<vmem>>
    %dma_start3A_259 = arith.constant 0 : i32
    %dma_start3A_260 = tpu.memref_slice %arg2[%dma_start3A_259, %multiple_of3A_247] : memref<32x1000000xf32, #tpu.memory_space<hbm>> -> memref<32x128xf32, #tpu.memory_space<hbm>>
    tpu.enqueue_dma source(%dma_start3A_260 : memref<32x128xf32, #tpu.memory_space<hbm>>) target(%dma_start3A_258 : memref<32x128xf32, #tpu.memory_space<vmem>>) target_semaphore(%arg20 : memref<!tpu.dma_semaphore, #tpu.memory_space<semaphore_mem>>)
    %slice3A_261 = vector.extract_strided_slice %get3A_6 {offsets = [13], sizes = [1], strides = [1]} : vector<16xi32> to vector<1xi32>
    %squeeze3A_262 = vector.extract %slice3A_261[0] : i32 from vector<1xi32>
    %shift_right_arithmetic3A_263 = arith.constant 7 : i32
    %shift_right_arithmetic3A_264 = arith.shrsi %squeeze3A_262, %shift_right_arithmetic3A_263 : i32
    %shift_left3A_265 = arith.constant 7 : i32
    %shift_left3A_266 = arith.shli %shift_right_arithmetic3A_264, %shift_left3A_265 : i32
    %multiple_of3A_267 = tpu.assume_multiple %shift_left3A_266, 128 : i32
    %dma_start3A_268 = arith.constant 13 : i32
    %dma_start3A_269 = arith.constant 0 : i32
    %dma_start3A_270 = arith.constant 0 : i32
    %dma_start3A_271 = tpu.memref_slice %arg6[%dma_start3A_268, %dma_start3A_269, %dma_start3A_270] : memref<16x32x128xf32, #tpu.memory_space<vmem>> -> memref<1x32x128xf32, #tpu.memory_space<vmem>>
    %dma_start3A_272 = tpu.memref_squeeze %dma_start3A_271 : memref<1x32x128xf32, #tpu.memory_space<vmem>> -> memref<32x128xf32, #tpu.memory_space<vmem>>
    %dma_start3A_273 = arith.constant 0 : i32
    %dma_start3A_274 = tpu.memref_slice %arg2[%dma_start3A_273, %multiple_of3A_267] : memref<32x1000000xf32, #tpu.memory_space<hbm>> -> memref<32x128xf32, #tpu.memory_space<hbm>>
    %dma_start3A_275 = arith.constant 0 : i32
    %dma_start3A_276 = arith.constant 0 : i32
    %dma_start3A_277 = tpu.memref_slice %arg6[%dma_start3A_268, %dma_start3A_275, %dma_start3A_276] : memref<16x32x128xf32, #tpu.memory_space<vmem>> -> memref<1x32x128xf32, #tpu.memory_space<vmem>>
    %dma_start3A_278 = tpu.memref_squeeze %dma_start3A_277 : memref<1x32x128xf32, #tpu.memory_space<vmem>> -> memref<32x128xf32, #tpu.memory_space<vmem>>
    %dma_start3A_279 = arith.constant 0 : i32
    %dma_start3A_280 = tpu.memref_slice %arg2[%dma_start3A_279, %multiple_of3A_267] : memref<32x1000000xf32, #tpu.memory_space<hbm>> -> memref<32x128xf32, #tpu.memory_space<hbm>>
    tpu.enqueue_dma source(%dma_start3A_280 : memref<32x128xf32, #tpu.memory_space<hbm>>) target(%dma_start3A_278 : memref<32x128xf32, #tpu.memory_space<vmem>>) target_semaphore(%arg21 : memref<!tpu.dma_semaphore, #tpu.memory_space<semaphore_mem>>)
    %slice3A_281 = vector.extract_strided_slice %get3A_6 {offsets = [14], sizes = [1], strides = [1]} : vector<16xi32> to vector<1xi32>
    %squeeze3A_282 = vector.extract %slice3A_281[0] : i32 from vector<1xi32>
    %shift_right_arithmetic3A_283 = arith.constant 7 : i32
    %shift_right_arithmetic3A_284 = arith.shrsi %squeeze3A_282, %shift_right_arithmetic3A_283 : i32
    %shift_left3A_285 = arith.constant 7 : i32
    %shift_left3A_286 = arith.shli %shift_right_arithmetic3A_284, %shift_left3A_285 : i32
    %multiple_of3A_287 = tpu.assume_multiple %shift_left3A_286, 128 : i32
    %dma_start3A_288 = arith.constant 14 : i32
    %dma_start3A_289 = arith.constant 0 : i32
    %dma_start3A_290 = arith.constant 0 : i32
    %dma_start3A_291 = tpu.memref_slice %arg6[%dma_start3A_288, %dma_start3A_289, %dma_start3A_290] : memref<16x32x128xf32, #tpu.memory_space<vmem>> -> memref<1x32x128xf32, #tpu.memory_space<vmem>>
    %dma_start3A_292 = tpu.memref_squeeze %dma_start3A_291 : memref<1x32x128xf32, #tpu.memory_space<vmem>> -> memref<32x128xf32, #tpu.memory_space<vmem>>
    %dma_start3A_293 = arith.constant 0 : i32
    %dma_start3A_294 = tpu.memref_slice %arg2[%dma_start3A_293, %multiple_of3A_287] : memref<32x1000000xf32, #tpu.memory_space<hbm>> -> memref<32x128xf32, #tpu.memory_space<hbm>>
    %dma_start3A_295 = arith.constant 0 : i32
    %dma_start3A_296 = arith.constant 0 : i32
    %dma_start3A_297 = tpu.memref_slice %arg6[%dma_start3A_288, %dma_start3A_295, %dma_start3A_296] : memref<16x32x128xf32, #tpu.memory_space<vmem>> -> memref<1x32x128xf32, #tpu.memory_space<vmem>>
    %dma_start3A_298 = tpu.memref_squeeze %dma_start3A_297 : memref<1x32x128xf32, #tpu.memory_space<vmem>> -> memref<32x128xf32, #tpu.memory_space<vmem>>
    %dma_start3A_299 = arith.constant 0 : i32
    %dma_start3A_300 = tpu.memref_slice %arg2[%dma_start3A_299, %multiple_of3A_287] : memref<32x1000000xf32, #tpu.memory_space<hbm>> -> memref<32x128xf32, #tpu.memory_space<hbm>>
    tpu.enqueue_dma source(%dma_start3A_300 : memref<32x128xf32, #tpu.memory_space<hbm>>) target(%dma_start3A_298 : memref<32x128xf32, #tpu.memory_space<vmem>>) target_semaphore(%arg22 : memref<!tpu.dma_semaphore, #tpu.memory_space<semaphore_mem>>)
    %slice3A_301 = vector.extract_strided_slice %get3A_6 {offsets = [15], sizes = [1], strides = [1]} : vector<16xi32> to vector<1xi32>
    %squeeze3A_302 = vector.extract %slice3A_301[0] : i32 from vector<1xi32>
    %shift_right_arithmetic3A_303 = arith.constant 7 : i32
    %shift_right_arithmetic3A_304 = arith.shrsi %squeeze3A_302, %shift_right_arithmetic3A_303 : i32
    %shift_left3A_305 = arith.constant 7 : i32
    %shift_left3A_306 = arith.shli %shift_right_arithmetic3A_304, %shift_left3A_305 : i32
    %multiple_of3A_307 = tpu.assume_multiple %shift_left3A_306, 128 : i32
    %dma_start3A_308 = arith.constant 15 : i32
    %dma_start3A_309 = arith.constant 0 : i32
    %dma_start3A_310 = arith.constant 0 : i32
    %dma_start3A_311 = tpu.memref_slice %arg6[%dma_start3A_308, %dma_start3A_309, %dma_start3A_310] : memref<16x32x128xf32, #tpu.memory_space<vmem>> -> memref<1x32x128xf32, #tpu.memory_space<vmem>>
    %dma_start3A_312 = tpu.memref_squeeze %dma_start3A_311 : memref<1x32x128xf32, #tpu.memory_space<vmem>> -> memref<32x128xf32, #tpu.memory_space<vmem>>
    %dma_start3A_313 = arith.constant 0 : i32
    %dma_start3A_314 = tpu.memref_slice %arg2[%dma_start3A_313, %multiple_of3A_307] : memref<32x1000000xf32, #tpu.memory_space<hbm>> -> memref<32x128xf32, #tpu.memory_space<hbm>>
    %dma_start3A_315 = arith.constant 0 : i32
    %dma_start3A_316 = arith.constant 0 : i32
    %dma_start3A_317 = tpu.memref_slice %arg6[%dma_start3A_308, %dma_start3A_315, %dma_start3A_316] : memref<16x32x128xf32, #tpu.memory_space<vmem>> -> memref<1x32x128xf32, #tpu.memory_space<vmem>>
    %dma_start3A_318 = tpu.memref_squeeze %dma_start3A_317 : memref<1x32x128xf32, #tpu.memory_space<vmem>> -> memref<32x128xf32, #tpu.memory_space<vmem>>
    %dma_start3A_319 = arith.constant 0 : i32
    %dma_start3A_320 = tpu.memref_slice %arg2[%dma_start3A_319, %multiple_of3A_307] : memref<32x1000000xf32, #tpu.memory_space<hbm>> -> memref<32x128xf32, #tpu.memory_space<hbm>>
    tpu.enqueue_dma source(%dma_start3A_320 : memref<32x128xf32, #tpu.memory_space<hbm>>) target(%dma_start3A_318 : memref<32x128xf32, #tpu.memory_space<vmem>>) target_semaphore(%arg23 : memref<!tpu.dma_semaphore, #tpu.memory_space<semaphore_mem>>)
    %scan3A = arith.constant 0 : i32
    %scan3A_321 = arith.constant 32 : i32
    %scan3A_322 = arith.addi %scan3A, %scan3A_321 : i32
    %scan3A_323 = arith.constant 1 : i32
    scf.for %scan3A_325 = %scan3A to %scan3A_322 step %scan3A_323  : i32 {
      %mul3A_326 = arith.constant 1 : i32
      %mul3A_327 = arith.muli %scan3A_325, %mul3A_326 : i32
      %add3A_328 = arith.constant 0 : i32
      %add3A_329 = arith.addi %add3A_328, %mul3A_327 : i32
      %mul3A_330 = arith.constant 16 : i32
      %mul3A_331 = arith.muli %add3A_329, %mul3A_330 : i32
      %get3A_332 = arith.index_cast %mul3A_331 : i32 to index
      %get3A_333 = tpu.vector_load %arg5[%get3A_332] {strides = array<i32>} : memref<512xi32, #tpu.memory_space<vmem>>, vector<16xi32>,
      %add3A_334 = arith.constant 16 : i32
      %add3A_335 = arith.addi %mul3A_331, %add3A_334 : i32
      %min3A = arith.constant 496 : i32
      %min3A_336 = arith.minsi %add3A_335, %min3A : i32
      %get3A_337 = arith.index_cast %min3A_336 : i32 to index
      %get3A_338 = tpu.vector_load %arg5[%get3A_337] {strides = array<i32>} : memref<512xi32, #tpu.memory_space<vmem>>, vector<16xi32>,
      %dma_wait3A = arith.constant 0 : i32
      %dma_wait3A_339 = arith.constant 0 : i32
      %dma_wait3A_340 = arith.constant 0 : i32
      %dma_wait3A_341 = tpu.memref_slice %arg6[%dma_wait3A, %dma_wait3A_339, %dma_wait3A_340] : memref<16x32x128xf32, #tpu.memory_space<vmem>> -> memref<1x32x128xf32, #tpu.memory_space<vmem>>
      %dma_wait3A_342 = tpu.memref_squeeze %dma_wait3A_341 : memref<1x32x128xf32, #tpu.memory_space<vmem>> -> memref<32x128xf32, #tpu.memory_space<vmem>>
      %dma_wait3A_343 = arith.constant 0 : i32
      %dma_wait3A_344 = arith.constant 0 : i32
      %dma_wait3A_345 = tpu.memref_slice %arg2[%dma_wait3A_343, %dma_wait3A_344] : memref<32x1000000xf32, #tpu.memory_space<hbm>> -> memref<32x128xf32, #tpu.memory_space<hbm>>
      %dma_wait3A_346 = arith.constant 0 : i32
      %dma_wait3A_347 = arith.constant 0 : i32
      %dma_wait3A_348 = tpu.memref_slice %arg6[%dma_wait3A, %dma_wait3A_346, %dma_wait3A_347] : memref<16x32x128xf32, #tpu.memory_space<vmem>> -> memref<1x32x128xf32, #tpu.memory_space<vmem>>
      %dma_wait3A_349 = tpu.memref_squeeze %dma_wait3A_348 : memref<1x32x128xf32, #tpu.memory_space<vmem>> -> memref<32x128xf32, #tpu.memory_space<vmem>>
      %dma_wait3A_350 = arith.constant 0 : i32
      %dma_wait3A_351 = arith.constant 0 : i32
      %dma_wait3A_352 = tpu.memref_slice %arg2[%dma_wait3A_350, %dma_wait3A_351] : memref<32x1000000xf32, #tpu.memory_space<hbm>> -> memref<32x128xf32, #tpu.memory_space<hbm>>
      tpu.wait_dma2 semaphore(%arg8 : memref<!tpu.dma_semaphore, #tpu.memory_space<semaphore_mem>>) src(%dma_wait3A_352 : memref<32x128xf32, #tpu.memory_space<hbm>>) dst(%dma_wait3A_349 : memref<32x128xf32, #tpu.memory_space<vmem>>)
      %slice3A_353 = vector.extract_strided_slice %get3A_333 {offsets = [0], sizes = [1], strides = [1]} : vector<16xi32> to vector<1xi32>
      %squeeze3A_354 = vector.extract %slice3A_353[0] : i32 from vector<1xi32>
      %add3A_355 = arith.constant 0 : i32
      %add3A_356 = arith.addi %mul3A_331, %add3A_355 : i32
      %and3A = arith.constant 127 : i32
      %and3A_357 = arith.andi %squeeze3A_354, %and3A : i32
      %broadcast_in_dim3A = vector.broadcast %and3A_357 : i32 to vector<16xi32>
      %broadcast_in_dim3A_358 = vector.broadcast %add3A_356 : i32 to vector<16xi32>
      %gather3A = arith.constant 0 : i32
      %gather3A_359 = arith.constant 0 : i32
      %gather3A_360 = arith.constant 0 : i32
      %gather3A_361 = tpu.memref_slice %arg6[%gather3A, %gather3A_359, %gather3A_360] : memref<16x32x128xf32, #tpu.memory_space<vmem>> -> memref<1x32x128xf32, #tpu.memory_space<vmem>>
      %gather3A_362 = tpu.memref_squeeze %gather3A_361 : memref<1x32x128xf32, #tpu.memory_space<vmem>> -> memref<32x128xf32, #tpu.memory_space<vmem>>
      %gather3A_363 = tpu.vector_load_idx %gather3A_362[%iota3A, %broadcast_in_dim3A] : memref<32x128xf32, #tpu.memory_space<vmem>>[vector<16xi32>, vector<16xi32>], vector<16xf32>,
      %gather3A_364 = arith.constant 0 : i32
      %gather3A_365 = arith.constant 0 : i32
      %gather3A_366 = arith.constant 0 : i32
      %gather3A_367 = tpu.memref_slice %arg6[%gather3A_364, %gather3A_365, %gather3A_366] : memref<16x32x128xf32, #tpu.memory_space<vmem>> -> memref<1x32x128xf32, #tpu.memory_space<vmem>>
      %gather3A_368 = tpu.memref_squeeze %gather3A_367 : memref<1x32x128xf32, #tpu.memory_space<vmem>> -> memref<32x128xf32, #tpu.memory_space<vmem>>
      %gather3A_369 = tpu.vector_load_idx %gather3A_368[%add3A_5, %broadcast_in_dim3A] : memref<32x128xf32, #tpu.memory_space<vmem>>[vector<16xi32>, vector<16xi32>], vector<16xf32>,
      tpu.vector_store_idx %arg7[%iota3A, %broadcast_in_dim3A_358], %gather3A_363 : memref<32x512xf32, #tpu.memory_space<vmem>>[vector<16xi32>, vector<16xi32>], vector<16xf32>,
      tpu.vector_store_idx %arg7[%add3A_5, %broadcast_in_dim3A_358], %gather3A_369 : memref<32x512xf32, #tpu.memory_space<vmem>>[vector<16xi32>, vector<16xi32>], vector<16xf32>,
      %add3A_370 = arith.constant 1 : i32
      %add3A_371 = arith.addi %add3A_329, %add3A_370 : i32
      %lt3A = arith.constant 32 : i32
      %lt3A_372 = arith.cmpi slt, %add3A_371, %lt3A : i32
      %convert_element_type3A = arith.extui %lt3A_372 : i1 to i32
      %cond3A = arith.constant 0 : i32
      %cond3A_373 = arith.cmpi ne, %convert_element_type3A, %cond3A : i32
      scf.if %cond3A_373 {
        %slice3A_1004 = vector.extract_strided_slice %get3A_338 {offsets = [0], sizes = [1], strides = [1]} : vector<16xi32> to vector<1xi32>
        %squeeze3A_1005 = vector.extract %slice3A_1004[0] : i32 from vector<1xi32>
        %shift_right_arithmetic3A_1006 = arith.constant 7 : i32
        %shift_right_arithmetic3A_1007 = arith.shrsi %squeeze3A_1005, %shift_right_arithmetic3A_1006 : i32
        %shift_left3A_1008 = arith.constant 7 : i32
        %shift_left3A_1009 = arith.shli %shift_right_arithmetic3A_1007, %shift_left3A_1008 : i32
        %multiple_of3A_1010 = tpu.assume_multiple %shift_left3A_1009, 128 : i32
        %dma_start3A_1011 = arith.constant 0 : i32
        %dma_start3A_1012 = arith.constant 0 : i32
        %dma_start3A_1013 = arith.constant 0 : i32
        %dma_start3A_1014 = tpu.memref_slice %arg6[%dma_start3A_1011, %dma_start3A_1012, %dma_start3A_1013] : memref<16x32x128xf32, #tpu.memory_space<vmem>> -> memref<1x32x128xf32, #tpu.memory_space<vmem>>
        %dma_start3A_1015 = tpu.memref_squeeze %dma_start3A_1014 : memref<1x32x128xf32, #tpu.memory_space<vmem>> -> memref<32x128xf32, #tpu.memory_space<vmem>>
        %dma_start3A_1016 = arith.constant 0 : i32
        %dma_start3A_1017 = tpu.memref_slice %arg2[%dma_start3A_1016, %multiple_of3A_1010] : memref<32x1000000xf32, #tpu.memory_space<hbm>> -> memref<32x128xf32, #tpu.memory_space<hbm>>
        %dma_start3A_1018 = arith.constant 0 : i32
        %dma_start3A_1019 = arith.constant 0 : i32
        %dma_start3A_1020 = tpu.memref_slice %arg6[%dma_start3A_1011, %dma_start3A_1018, %dma_start3A_1019] : memref<16x32x128xf32, #tpu.memory_space<vmem>> -> memref<1x32x128xf32, #tpu.memory_space<vmem>>
        %dma_start3A_1021 = tpu.memref_squeeze %dma_start3A_1020 : memref<1x32x128xf32, #tpu.memory_space<vmem>> -> memref<32x128xf32, #tpu.memory_space<vmem>>
        %dma_start3A_1022 = arith.constant 0 : i32
        %dma_start3A_1023 = tpu.memref_slice %arg2[%dma_start3A_1022, %multiple_of3A_1010] : memref<32x1000000xf32, #tpu.memory_space<hbm>> -> memref<32x128xf32, #tpu.memory_space<hbm>>
        tpu.enqueue_dma source(%dma_start3A_1023 : memref<32x128xf32, #tpu.memory_space<hbm>>) target(%dma_start3A_1021 : memref<32x128xf32, #tpu.memory_space<vmem>>) target_semaphore(%arg8 : memref<!tpu.dma_semaphore, #tpu.memory_space<semaphore_mem>>)
      } else {
      }
      %dma_wait3A_374 = arith.constant 1 : i32
      %dma_wait3A_375 = arith.constant 0 : i32
      %dma_wait3A_376 = arith.constant 0 : i32
      %dma_wait3A_377 = tpu.memref_slice %arg6[%dma_wait3A_374, %dma_wait3A_375, %dma_wait3A_376] : memref<16x32x128xf32, #tpu.memory_space<vmem>> -> memref<1x32x128xf32, #tpu.memory_space<vmem>>
      %dma_wait3A_378 = tpu.memref_squeeze %dma_wait3A_377 : memref<1x32x128xf32, #tpu.memory_space<vmem>> -> memref<32x128xf32, #tpu.memory_space<vmem>>
      %dma_wait3A_379 = arith.constant 0 : i32
      %dma_wait3A_380 = arith.constant 0 : i32
      %dma_wait3A_381 = tpu.memref_slice %arg2[%dma_wait3A_379, %dma_wait3A_380] : memref<32x1000000xf32, #tpu.memory_space<hbm>> -> memref<32x128xf32, #tpu.memory_space<hbm>>
      %dma_wait3A_382 = arith.constant 0 : i32
      %dma_wait3A_383 = arith.constant 0 : i32
      %dma_wait3A_384 = tpu.memref_slice %arg6[%dma_wait3A_374, %dma_wait3A_382, %dma_wait3A_383] : memref<16x32x128xf32, #tpu.memory_space<vmem>> -> memref<1x32x128xf32, #tpu.memory_space<vmem>>
      %dma_wait3A_385 = tpu.memref_squeeze %dma_wait3A_384 : memref<1x32x128xf32, #tpu.memory_space<vmem>> -> memref<32x128xf32, #tpu.memory_space<vmem>>
      %dma_wait3A_386 = arith.constant 0 : i32
      %dma_wait3A_387 = arith.constant 0 : i32
      %dma_wait3A_388 = tpu.memref_slice %arg2[%dma_wait3A_386, %dma_wait3A_387] : memref<32x1000000xf32, #tpu.memory_space<hbm>> -> memref<32x128xf32, #tpu.memory_space<hbm>>
      tpu.wait_dma2 semaphore(%arg9 : memref<!tpu.dma_semaphore, #tpu.memory_space<semaphore_mem>>) src(%dma_wait3A_388 : memref<32x128xf32, #tpu.memory_space<hbm>>) dst(%dma_wait3A_385 : memref<32x128xf32, #tpu.memory_space<vmem>>)
      %slice3A_389 = vector.extract_strided_slice %get3A_333 {offsets = [1], sizes = [1], strides = [1]} : vector<16xi32> to vector<1xi32>
      %squeeze3A_390 = vector.extract %slice3A_389[0] : i32 from vector<1xi32>
      %add3A_391 = arith.constant 1 : i32
      %add3A_392 = arith.addi %mul3A_331, %add3A_391 : i32
      %and3A_393 = arith.constant 127 : i32
      %and3A_394 = arith.andi %squeeze3A_390, %and3A_393 : i32
      %broadcast_in_dim3A_395 = vector.broadcast %and3A_394 : i32 to vector<16xi32>
      %broadcast_in_dim3A_396 = vector.broadcast %add3A_392 : i32 to vector<16xi32>
      %gather3A_397 = arith.constant 1 : i32
      %gather3A_398 = arith.constant 0 : i32
      %gather3A_399 = arith.constant 0 : i32
      %gather3A_400 = tpu.memref_slice %arg6[%gather3A_397, %gather3A_398, %gather3A_399] : memref<16x32x128xf32, #tpu.memory_space<vmem>> -> memref<1x32x128xf32, #tpu.memory_space<vmem>>
      %gather3A_401 = tpu.memref_squeeze %gather3A_400 : memref<1x32x128xf32, #tpu.memory_space<vmem>> -> memref<32x128xf32, #tpu.memory_space<vmem>>
      %gather3A_402 = tpu.vector_load_idx %gather3A_401[%iota3A, %broadcast_in_dim3A_395] : memref<32x128xf32, #tpu.memory_space<vmem>>[vector<16xi32>, vector<16xi32>], vector<16xf32>,
      %gather3A_403 = arith.constant 1 : i32
      %gather3A_404 = arith.constant 0 : i32
      %gather3A_405 = arith.constant 0 : i32
      %gather3A_406 = tpu.memref_slice %arg6[%gather3A_403, %gather3A_404, %gather3A_405] : memref<16x32x128xf32, #tpu.memory_space<vmem>> -> memref<1x32x128xf32, #tpu.memory_space<vmem>>
      %gather3A_407 = tpu.memref_squeeze %gather3A_406 : memref<1x32x128xf32, #tpu.memory_space<vmem>> -> memref<32x128xf32, #tpu.memory_space<vmem>>
      %gather3A_408 = tpu.vector_load_idx %gather3A_407[%add3A_5, %broadcast_in_dim3A_395] : memref<32x128xf32, #tpu.memory_space<vmem>>[vector<16xi32>, vector<16xi32>], vector<16xf32>,
      tpu.vector_store_idx %arg7[%iota3A, %broadcast_in_dim3A_396], %gather3A_402 : memref<32x512xf32, #tpu.memory_space<vmem>>[vector<16xi32>, vector<16xi32>], vector<16xf32>,
      tpu.vector_store_idx %arg7[%add3A_5, %broadcast_in_dim3A_396], %gather3A_408 : memref<32x512xf32, #tpu.memory_space<vmem>>[vector<16xi32>, vector<16xi32>], vector<16xf32>,
      %add3A_409 = arith.constant 1 : i32
      %add3A_410 = arith.addi %add3A_329, %add3A_409 : i32
      %lt3A_411 = arith.constant 32 : i32
      %lt3A_412 = arith.cmpi slt, %add3A_410, %lt3A_411 : i32
      %convert_element_type3A_413 = arith.extui %lt3A_412 : i1 to i32
      %cond3A_414 = arith.constant 0 : i32
      %cond3A_415 = arith.cmpi ne, %convert_element_type3A_413, %cond3A_414 : i32
      scf.if %cond3A_415 {
        %slice3A_1004 = vector.extract_strided_slice %get3A_338 {offsets = [1], sizes = [1], strides = [1]} : vector<16xi32> to vector<1xi32>
        %squeeze3A_1005 = vector.extract %slice3A_1004[0] : i32 from vector<1xi32>
        %shift_right_arithmetic3A_1006 = arith.constant 7 : i32
        %shift_right_arithmetic3A_1007 = arith.shrsi %squeeze3A_1005, %shift_right_arithmetic3A_1006 : i32
        %shift_left3A_1008 = arith.constant 7 : i32
        %shift_left3A_1009 = arith.shli %shift_right_arithmetic3A_1007, %shift_left3A_1008 : i32
        %multiple_of3A_1010 = tpu.assume_multiple %shift_left3A_1009, 128 : i32
        %dma_start3A_1011 = arith.constant 1 : i32
        %dma_start3A_1012 = arith.constant 0 : i32
        %dma_start3A_1013 = arith.constant 0 : i32
        %dma_start3A_1014 = tpu.memref_slice %arg6[%dma_start3A_1011, %dma_start3A_1012, %dma_start3A_1013] : memref<16x32x128xf32, #tpu.memory_space<vmem>> -> memref<1x32x128xf32, #tpu.memory_space<vmem>>
        %dma_start3A_1015 = tpu.memref_squeeze %dma_start3A_1014 : memref<1x32x128xf32, #tpu.memory_space<vmem>> -> memref<32x128xf32, #tpu.memory_space<vmem>>
        %dma_start3A_1016 = arith.constant 0 : i32
        %dma_start3A_1017 = tpu.memref_slice %arg2[%dma_start3A_1016, %multiple_of3A_1010] : memref<32x1000000xf32, #tpu.memory_space<hbm>> -> memref<32x128xf32, #tpu.memory_space<hbm>>
        %dma_start3A_1018 = arith.constant 0 : i32
        %dma_start3A_1019 = arith.constant 0 : i32
        %dma_start3A_1020 = tpu.memref_slice %arg6[%dma_start3A_1011, %dma_start3A_1018, %dma_start3A_1019] : memref<16x32x128xf32, #tpu.memory_space<vmem>> -> memref<1x32x128xf32, #tpu.memory_space<vmem>>
        %dma_start3A_1021 = tpu.memref_squeeze %dma_start3A_1020 : memref<1x32x128xf32, #tpu.memory_space<vmem>> -> memref<32x128xf32, #tpu.memory_space<vmem>>
        %dma_start3A_1022 = arith.constant 0 : i32
        %dma_start3A_1023 = tpu.memref_slice %arg2[%dma_start3A_1022, %multiple_of3A_1010] : memref<32x1000000xf32, #tpu.memory_space<hbm>> -> memref<32x128xf32, #tpu.memory_space<hbm>>
        tpu.enqueue_dma source(%dma_start3A_1023 : memref<32x128xf32, #tpu.memory_space<hbm>>) target(%dma_start3A_1021 : memref<32x128xf32, #tpu.memory_space<vmem>>) target_semaphore(%arg9 : memref<!tpu.dma_semaphore, #tpu.memory_space<semaphore_mem>>)
      } else {
      }
      %dma_wait3A_416 = arith.constant 2 : i32
      %dma_wait3A_417 = arith.constant 0 : i32
      %dma_wait3A_418 = arith.constant 0 : i32
      %dma_wait3A_419 = tpu.memref_slice %arg6[%dma_wait3A_416, %dma_wait3A_417, %dma_wait3A_418] : memref<16x32x128xf32, #tpu.memory_space<vmem>> -> memref<1x32x128xf32, #tpu.memory_space<vmem>>
      %dma_wait3A_420 = tpu.memref_squeeze %dma_wait3A_419 : memref<1x32x128xf32, #tpu.memory_space<vmem>> -> memref<32x128xf32, #tpu.memory_space<vmem>>
      %dma_wait3A_421 = arith.constant 0 : i32
      %dma_wait3A_422 = arith.constant 0 : i32
      %dma_wait3A_423 = tpu.memref_slice %arg2[%dma_wait3A_421, %dma_wait3A_422] : memref<32x1000000xf32, #tpu.memory_space<hbm>> -> memref<32x128xf32, #tpu.memory_space<hbm>>
      %dma_wait3A_424 = arith.constant 0 : i32
      %dma_wait3A_425 = arith.constant 0 : i32
      %dma_wait3A_426 = tpu.memref_slice %arg6[%dma_wait3A_416, %dma_wait3A_424, %dma_wait3A_425] : memref<16x32x128xf32, #tpu.memory_space<vmem>> -> memref<1x32x128xf32, #tpu.memory_space<vmem>>
      %dma_wait3A_427 = tpu.memref_squeeze %dma_wait3A_426 : memref<1x32x128xf32, #tpu.memory_space<vmem>> -> memref<32x128xf32, #tpu.memory_space<vmem>>
      %dma_wait3A_428 = arith.constant 0 : i32
      %dma_wait3A_429 = arith.constant 0 : i32
      %dma_wait3A_430 = tpu.memref_slice %arg2[%dma_wait3A_428, %dma_wait3A_429] : memref<32x1000000xf32, #tpu.memory_space<hbm>> -> memref<32x128xf32, #tpu.memory_space<hbm>>
      tpu.wait_dma2 semaphore(%arg10 : memref<!tpu.dma_semaphore, #tpu.memory_space<semaphore_mem>>) src(%dma_wait3A_430 : memref<32x128xf32, #tpu.memory_space<hbm>>) dst(%dma_wait3A_427 : memref<32x128xf32, #tpu.memory_space<vmem>>)
      %slice3A_431 = vector.extract_strided_slice %get3A_333 {offsets = [2], sizes = [1], strides = [1]} : vector<16xi32> to vector<1xi32>
      %squeeze3A_432 = vector.extract %slice3A_431[0] : i32 from vector<1xi32>
      %add3A_433 = arith.constant 2 : i32
      %add3A_434 = arith.addi %mul3A_331, %add3A_433 : i32
      %and3A_435 = arith.constant 127 : i32
      %and3A_436 = arith.andi %squeeze3A_432, %and3A_435 : i32
      %broadcast_in_dim3A_437 = vector.broadcast %and3A_436 : i32 to vector<16xi32>
      %broadcast_in_dim3A_438 = vector.broadcast %add3A_434 : i32 to vector<16xi32>
      %gather3A_439 = arith.constant 2 : i32
      %gather3A_440 = arith.constant 0 : i32
      %gather3A_441 = arith.constant 0 : i32
      %gather3A_442 = tpu.memref_slice %arg6[%gather3A_439, %gather3A_440, %gather3A_441] : memref<16x32x128xf32, #tpu.memory_space<vmem>> -> memref<1x32x128xf32, #tpu.memory_space<vmem>>
      %gather3A_443 = tpu.memref_squeeze %gather3A_442 : memref<1x32x128xf32, #tpu.memory_space<vmem>> -> memref<32x128xf32, #tpu.memory_space<vmem>>
      %gather3A_444 = tpu.vector_load_idx %gather3A_443[%iota3A, %broadcast_in_dim3A_437] : memref<32x128xf32, #tpu.memory_space<vmem>>[vector<16xi32>, vector<16xi32>], vector<16xf32>,
      %gather3A_445 = arith.constant 2 : i32
      %gather3A_446 = arith.constant 0 : i32
      %gather3A_447 = arith.constant 0 : i32
      %gather3A_448 = tpu.memref_slice %arg6[%gather3A_445, %gather3A_446, %gather3A_447] : memref<16x32x128xf32, #tpu.memory_space<vmem>> -> memref<1x32x128xf32, #tpu.memory_space<vmem>>
      %gather3A_449 = tpu.memref_squeeze %gather3A_448 : memref<1x32x128xf32, #tpu.memory_space<vmem>> -> memref<32x128xf32, #tpu.memory_space<vmem>>
      %gather3A_450 = tpu.vector_load_idx %gather3A_449[%add3A_5, %broadcast_in_dim3A_437] : memref<32x128xf32, #tpu.memory_space<vmem>>[vector<16xi32>, vector<16xi32>], vector<16xf32>,
      tpu.vector_store_idx %arg7[%iota3A, %broadcast_in_dim3A_438], %gather3A_444 : memref<32x512xf32, #tpu.memory_space<vmem>>[vector<16xi32>, vector<16xi32>], vector<16xf32>,
      tpu.vector_store_idx %arg7[%add3A_5, %broadcast_in_dim3A_438], %gather3A_450 : memref<32x512xf32, #tpu.memory_space<vmem>>[vector<16xi32>, vector<16xi32>], vector<16xf32>,
      %add3A_451 = arith.constant 1 : i32
      %add3A_452 = arith.addi %add3A_329, %add3A_451 : i32
      %lt3A_453 = arith.constant 32 : i32
      %lt3A_454 = arith.cmpi slt, %add3A_452, %lt3A_453 : i32
      %convert_element_type3A_455 = arith.extui %lt3A_454 : i1 to i32
      %cond3A_456 = arith.constant 0 : i32
      %cond3A_457 = arith.cmpi ne, %convert_element_type3A_455, %cond3A_456 : i32
      scf.if %cond3A_457 {
        %slice3A_1004 = vector.extract_strided_slice %get3A_338 {offsets = [2], sizes = [1], strides = [1]} : vector<16xi32> to vector<1xi32>
        %squeeze3A_1005 = vector.extract %slice3A_1004[0] : i32 from vector<1xi32>
        %shift_right_arithmetic3A_1006 = arith.constant 7 : i32
        %shift_right_arithmetic3A_1007 = arith.shrsi %squeeze3A_1005, %shift_right_arithmetic3A_1006 : i32
        %shift_left3A_1008 = arith.constant 7 : i32
        %shift_left3A_1009 = arith.shli %shift_right_arithmetic3A_1007, %shift_left3A_1008 : i32
        %multiple_of3A_1010 = tpu.assume_multiple %shift_left3A_1009, 128 : i32
        %dma_start3A_1011 = arith.constant 2 : i32
        %dma_start3A_1012 = arith.constant 0 : i32
        %dma_start3A_1013 = arith.constant 0 : i32
        %dma_start3A_1014 = tpu.memref_slice %arg6[%dma_start3A_1011, %dma_start3A_1012, %dma_start3A_1013] : memref<16x32x128xf32, #tpu.memory_space<vmem>> -> memref<1x32x128xf32, #tpu.memory_space<vmem>>
        %dma_start3A_1015 = tpu.memref_squeeze %dma_start3A_1014 : memref<1x32x128xf32, #tpu.memory_space<vmem>> -> memref<32x128xf32, #tpu.memory_space<vmem>>
        %dma_start3A_1016 = arith.constant 0 : i32
        %dma_start3A_1017 = tpu.memref_slice %arg2[%dma_start3A_1016, %multiple_of3A_1010] : memref<32x1000000xf32, #tpu.memory_space<hbm>> -> memref<32x128xf32, #tpu.memory_space<hbm>>
        %dma_start3A_1018 = arith.constant 0 : i32
        %dma_start3A_1019 = arith.constant 0 : i32
        %dma_start3A_1020 = tpu.memref_slice %arg6[%dma_start3A_1011, %dma_start3A_1018, %dma_start3A_1019] : memref<16x32x128xf32, #tpu.memory_space<vmem>> -> memref<1x32x128xf32, #tpu.memory_space<vmem>>
        %dma_start3A_1021 = tpu.memref_squeeze %dma_start3A_1020 : memref<1x32x128xf32, #tpu.memory_space<vmem>> -> memref<32x128xf32, #tpu.memory_space<vmem>>
        %dma_start3A_1022 = arith.constant 0 : i32
        %dma_start3A_1023 = tpu.memref_slice %arg2[%dma_start3A_1022, %multiple_of3A_1010] : memref<32x1000000xf32, #tpu.memory_space<hbm>> -> memref<32x128xf32, #tpu.memory_space<hbm>>
        tpu.enqueue_dma source(%dma_start3A_1023 : memref<32x128xf32, #tpu.memory_space<hbm>>) target(%dma_start3A_1021 : memref<32x128xf32, #tpu.memory_space<vmem>>) target_semaphore(%arg10 : memref<!tpu.dma_semaphore, #tpu.memory_space<semaphore_mem>>)
      } else {
      }
      %dma_wait3A_458 = arith.constant 3 : i32
      %dma_wait3A_459 = arith.constant 0 : i32
      %dma_wait3A_460 = arith.constant 0 : i32
      %dma_wait3A_461 = tpu.memref_slice %arg6[%dma_wait3A_458, %dma_wait3A_459, %dma_wait3A_460] : memref<16x32x128xf32, #tpu.memory_space<vmem>> -> memref<1x32x128xf32, #tpu.memory_space<vmem>>
      %dma_wait3A_462 = tpu.memref_squeeze %dma_wait3A_461 : memref<1x32x128xf32, #tpu.memory_space<vmem>> -> memref<32x128xf32, #tpu.memory_space<vmem>>
      %dma_wait3A_463 = arith.constant 0 : i32
      %dma_wait3A_464 = arith.constant 0 : i32
      %dma_wait3A_465 = tpu.memref_slice %arg2[%dma_wait3A_463, %dma_wait3A_464] : memref<32x1000000xf32, #tpu.memory_space<hbm>> -> memref<32x128xf32, #tpu.memory_space<hbm>>
      %dma_wait3A_466 = arith.constant 0 : i32
      %dma_wait3A_467 = arith.constant 0 : i32
      %dma_wait3A_468 = tpu.memref_slice %arg6[%dma_wait3A_458, %dma_wait3A_466, %dma_wait3A_467] : memref<16x32x128xf32, #tpu.memory_space<vmem>> -> memref<1x32x128xf32, #tpu.memory_space<vmem>>
      %dma_wait3A_469 = tpu.memref_squeeze %dma_wait3A_468 : memref<1x32x128xf32, #tpu.memory_space<vmem>> -> memref<32x128xf32, #tpu.memory_space<vmem>>
      %dma_wait3A_470 = arith.constant 0 : i32
      %dma_wait3A_471 = arith.constant 0 : i32
      %dma_wait3A_472 = tpu.memref_slice %arg2[%dma_wait3A_470, %dma_wait3A_471] : memref<32x1000000xf32, #tpu.memory_space<hbm>> -> memref<32x128xf32, #tpu.memory_space<hbm>>
      tpu.wait_dma2 semaphore(%arg11 : memref<!tpu.dma_semaphore, #tpu.memory_space<semaphore_mem>>) src(%dma_wait3A_472 : memref<32x128xf32, #tpu.memory_space<hbm>>) dst(%dma_wait3A_469 : memref<32x128xf32, #tpu.memory_space<vmem>>)
      %slice3A_473 = vector.extract_strided_slice %get3A_333 {offsets = [3], sizes = [1], strides = [1]} : vector<16xi32> to vector<1xi32>
      %squeeze3A_474 = vector.extract %slice3A_473[0] : i32 from vector<1xi32>
      %add3A_475 = arith.constant 3 : i32
      %add3A_476 = arith.addi %mul3A_331, %add3A_475 : i32
      %and3A_477 = arith.constant 127 : i32
      %and3A_478 = arith.andi %squeeze3A_474, %and3A_477 : i32
      %broadcast_in_dim3A_479 = vector.broadcast %and3A_478 : i32 to vector<16xi32>
      %broadcast_in_dim3A_480 = vector.broadcast %add3A_476 : i32 to vector<16xi32>
      %gather3A_481 = arith.constant 3 : i32
      %gather3A_482 = arith.constant 0 : i32
      %gather3A_483 = arith.constant 0 : i32
      %gather3A_484 = tpu.memref_slice %arg6[%gather3A_481, %gather3A_482, %gather3A_483] : memref<16x32x128xf32, #tpu.memory_space<vmem>> -> memref<1x32x128xf32, #tpu.memory_space<vmem>>
      %gather3A_485 = tpu.memref_squeeze %gather3A_484 : memref<1x32x128xf32, #tpu.memory_space<vmem>> -> memref<32x128xf32, #tpu.memory_space<vmem>>
      %gather3A_486 = tpu.vector_load_idx %gather3A_485[%iota3A, %broadcast_in_dim3A_479] : memref<32x128xf32, #tpu.memory_space<vmem>>[vector<16xi32>, vector<16xi32>], vector<16xf32>,
      %gather3A_487 = arith.constant 3 : i32
      %gather3A_488 = arith.constant 0 : i32
      %gather3A_489 = arith.constant 0 : i32
      %gather3A_490 = tpu.memref_slice %arg6[%gather3A_487, %gather3A_488, %gather3A_489] : memref<16x32x128xf32, #tpu.memory_space<vmem>> -> memref<1x32x128xf32, #tpu.memory_space<vmem>>
      %gather3A_491 = tpu.memref_squeeze %gather3A_490 : memref<1x32x128xf32, #tpu.memory_space<vmem>> -> memref<32x128xf32, #tpu.memory_space<vmem>>
      %gather3A_492 = tpu.vector_load_idx %gather3A_491[%add3A_5, %broadcast_in_dim3A_479] : memref<32x128xf32, #tpu.memory_space<vmem>>[vector<16xi32>, vector<16xi32>], vector<16xf32>,
      tpu.vector_store_idx %arg7[%iota3A, %broadcast_in_dim3A_480], %gather3A_486 : memref<32x512xf32, #tpu.memory_space<vmem>>[vector<16xi32>, vector<16xi32>], vector<16xf32>,
      tpu.vector_store_idx %arg7[%add3A_5, %broadcast_in_dim3A_480], %gather3A_492 : memref<32x512xf32, #tpu.memory_space<vmem>>[vector<16xi32>, vector<16xi32>], vector<16xf32>,
      %add3A_493 = arith.constant 1 : i32
      %add3A_494 = arith.addi %add3A_329, %add3A_493 : i32
      %lt3A_495 = arith.constant 32 : i32
      %lt3A_496 = arith.cmpi slt, %add3A_494, %lt3A_495 : i32
      %convert_element_type3A_497 = arith.extui %lt3A_496 : i1 to i32
      %cond3A_498 = arith.constant 0 : i32
      %cond3A_499 = arith.cmpi ne, %convert_element_type3A_497, %cond3A_498 : i32
      scf.if %cond3A_499 {
        %slice3A_1004 = vector.extract_strided_slice %get3A_338 {offsets = [3], sizes = [1], strides = [1]} : vector<16xi32> to vector<1xi32>
        %squeeze3A_1005 = vector.extract %slice3A_1004[0] : i32 from vector<1xi32>
        %shift_right_arithmetic3A_1006 = arith.constant 7 : i32
        %shift_right_arithmetic3A_1007 = arith.shrsi %squeeze3A_1005, %shift_right_arithmetic3A_1006 : i32
        %shift_left3A_1008 = arith.constant 7 : i32
        %shift_left3A_1009 = arith.shli %shift_right_arithmetic3A_1007, %shift_left3A_1008 : i32
        %multiple_of3A_1010 = tpu.assume_multiple %shift_left3A_1009, 128 : i32
        %dma_start3A_1011 = arith.constant 3 : i32
        %dma_start3A_1012 = arith.constant 0 : i32
        %dma_start3A_1013 = arith.constant 0 : i32
        %dma_start3A_1014 = tpu.memref_slice %arg6[%dma_start3A_1011, %dma_start3A_1012, %dma_start3A_1013] : memref<16x32x128xf32, #tpu.memory_space<vmem>> -> memref<1x32x128xf32, #tpu.memory_space<vmem>>
        %dma_start3A_1015 = tpu.memref_squeeze %dma_start3A_1014 : memref<1x32x128xf32, #tpu.memory_space<vmem>> -> memref<32x128xf32, #tpu.memory_space<vmem>>
        %dma_start3A_1016 = arith.constant 0 : i32
        %dma_start3A_1017 = tpu.memref_slice %arg2[%dma_start3A_1016, %multiple_of3A_1010] : memref<32x1000000xf32, #tpu.memory_space<hbm>> -> memref<32x128xf32, #tpu.memory_space<hbm>>
        %dma_start3A_1018 = arith.constant 0 : i32
        %dma_start3A_1019 = arith.constant 0 : i32
        %dma_start3A_1020 = tpu.memref_slice %arg6[%dma_start3A_1011, %dma_start3A_1018, %dma_start3A_1019] : memref<16x32x128xf32, #tpu.memory_space<vmem>> -> memref<1x32x128xf32, #tpu.memory_space<vmem>>
        %dma_start3A_1021 = tpu.memref_squeeze %dma_start3A_1020 : memref<1x32x128xf32, #tpu.memory_space<vmem>> -> memref<32x128xf32, #tpu.memory_space<vmem>>
        %dma_start3A_1022 = arith.constant 0 : i32
        %dma_start3A_1023 = tpu.memref_slice %arg2[%dma_start3A_1022, %multiple_of3A_1010] : memref<32x1000000xf32, #tpu.memory_space<hbm>> -> memref<32x128xf32, #tpu.memory_space<hbm>>
        tpu.enqueue_dma source(%dma_start3A_1023 : memref<32x128xf32, #tpu.memory_space<hbm>>) target(%dma_start3A_1021 : memref<32x128xf32, #tpu.memory_space<vmem>>) target_semaphore(%arg11 : memref<!tpu.dma_semaphore, #tpu.memory_space<semaphore_mem>>)
      } else {
      }
      %dma_wait3A_500 = arith.constant 4 : i32
      %dma_wait3A_501 = arith.constant 0 : i32
      %dma_wait3A_502 = arith.constant 0 : i32
      %dma_wait3A_503 = tpu.memref_slice %arg6[%dma_wait3A_500, %dma_wait3A_501, %dma_wait3A_502] : memref<16x32x128xf32, #tpu.memory_space<vmem>> -> memref<1x32x128xf32, #tpu.memory_space<vmem>>
      %dma_wait3A_504 = tpu.memref_squeeze %dma_wait3A_503 : memref<1x32x128xf32, #tpu.memory_space<vmem>> -> memref<32x128xf32, #tpu.memory_space<vmem>>
      %dma_wait3A_505 = arith.constant 0 : i32
      %dma_wait3A_506 = arith.constant 0 : i32
      %dma_wait3A_507 = tpu.memref_slice %arg2[%dma_wait3A_505, %dma_wait3A_506] : memref<32x1000000xf32, #tpu.memory_space<hbm>> -> memref<32x128xf32, #tpu.memory_space<hbm>>
      %dma_wait3A_508 = arith.constant 0 : i32
      %dma_wait3A_509 = arith.constant 0 : i32
      %dma_wait3A_510 = tpu.memref_slice %arg6[%dma_wait3A_500, %dma_wait3A_508, %dma_wait3A_509] : memref<16x32x128xf32, #tpu.memory_space<vmem>> -> memref<1x32x128xf32, #tpu.memory_space<vmem>>
      %dma_wait3A_511 = tpu.memref_squeeze %dma_wait3A_510 : memref<1x32x128xf32, #tpu.memory_space<vmem>> -> memref<32x128xf32, #tpu.memory_space<vmem>>
      %dma_wait3A_512 = arith.constant 0 : i32
      %dma_wait3A_513 = arith.constant 0 : i32
      %dma_wait3A_514 = tpu.memref_slice %arg2[%dma_wait3A_512, %dma_wait3A_513] : memref<32x1000000xf32, #tpu.memory_space<hbm>> -> memref<32x128xf32, #tpu.memory_space<hbm>>
      tpu.wait_dma2 semaphore(%arg12 : memref<!tpu.dma_semaphore, #tpu.memory_space<semaphore_mem>>) src(%dma_wait3A_514 : memref<32x128xf32, #tpu.memory_space<hbm>>) dst(%dma_wait3A_511 : memref<32x128xf32, #tpu.memory_space<vmem>>)
      %slice3A_515 = vector.extract_strided_slice %get3A_333 {offsets = [4], sizes = [1], strides = [1]} : vector<16xi32> to vector<1xi32>
      %squeeze3A_516 = vector.extract %slice3A_515[0] : i32 from vector<1xi32>
      %add3A_517 = arith.constant 4 : i32
      %add3A_518 = arith.addi %mul3A_331, %add3A_517 : i32
      %and3A_519 = arith.constant 127 : i32
      %and3A_520 = arith.andi %squeeze3A_516, %and3A_519 : i32
      %broadcast_in_dim3A_521 = vector.broadcast %and3A_520 : i32 to vector<16xi32>
      %broadcast_in_dim3A_522 = vector.broadcast %add3A_518 : i32 to vector<16xi32>
      %gather3A_523 = arith.constant 4 : i32
      %gather3A_524 = arith.constant 0 : i32
      %gather3A_525 = arith.constant 0 : i32
      %gather3A_526 = tpu.memref_slice %arg6[%gather3A_523, %gather3A_524, %gather3A_525] : memref<16x32x128xf32, #tpu.memory_space<vmem>> -> memref<1x32x128xf32, #tpu.memory_space<vmem>>
      %gather3A_527 = tpu.memref_squeeze %gather3A_526 : memref<1x32x128xf32, #tpu.memory_space<vmem>> -> memref<32x128xf32, #tpu.memory_space<vmem>>
      %gather3A_528 = tpu.vector_load_idx %gather3A_527[%iota3A, %broadcast_in_dim3A_521] : memref<32x128xf32, #tpu.memory_space<vmem>>[vector<16xi32>, vector<16xi32>], vector<16xf32>,
      %gather3A_529 = arith.constant 4 : i32
      %gather3A_530 = arith.constant 0 : i32
      %gather3A_531 = arith.constant 0 : i32
      %gather3A_532 = tpu.memref_slice %arg6[%gather3A_529, %gather3A_530, %gather3A_531] : memref<16x32x128xf32, #tpu.memory_space<vmem>> -> memref<1x32x128xf32, #tpu.memory_space<vmem>>
      %gather3A_533 = tpu.memref_squeeze %gather3A_532 : memref<1x32x128xf32, #tpu.memory_space<vmem>> -> memref<32x128xf32, #tpu.memory_space<vmem>>
      %gather3A_534 = tpu.vector_load_idx %gather3A_533[%add3A_5, %broadcast_in_dim3A_521] : memref<32x128xf32, #tpu.memory_space<vmem>>[vector<16xi32>, vector<16xi32>], vector<16xf32>,
      tpu.vector_store_idx %arg7[%iota3A, %broadcast_in_dim3A_522], %gather3A_528 : memref<32x512xf32, #tpu.memory_space<vmem>>[vector<16xi32>, vector<16xi32>], vector<16xf32>,
      tpu.vector_store_idx %arg7[%add3A_5, %broadcast_in_dim3A_522], %gather3A_534 : memref<32x512xf32, #tpu.memory_space<vmem>>[vector<16xi32>, vector<16xi32>], vector<16xf32>,
      %add3A_535 = arith.constant 1 : i32
      %add3A_536 = arith.addi %add3A_329, %add3A_535 : i32
      %lt3A_537 = arith.constant 32 : i32
      %lt3A_538 = arith.cmpi slt, %add3A_536, %lt3A_537 : i32
      %convert_element_type3A_539 = arith.extui %lt3A_538 : i1 to i32
      %cond3A_540 = arith.constant 0 : i32
      %cond3A_541 = arith.cmpi ne, %convert_element_type3A_539, %cond3A_540 : i32
      scf.if %cond3A_541 {
        %slice3A_1004 = vector.extract_strided_slice %get3A_338 {offsets = [4], sizes = [1], strides = [1]} : vector<16xi32> to vector<1xi32>
        %squeeze3A_1005 = vector.extract %slice3A_1004[0] : i32 from vector<1xi32>
        %shift_right_arithmetic3A_1006 = arith.constant 7 : i32
        %shift_right_arithmetic3A_1007 = arith.shrsi %squeeze3A_1005, %shift_right_arithmetic3A_1006 : i32
        %shift_left3A_1008 = arith.constant 7 : i32
        %shift_left3A_1009 = arith.shli %shift_right_arithmetic3A_1007, %shift_left3A_1008 : i32
        %multiple_of3A_1010 = tpu.assume_multiple %shift_left3A_1009, 128 : i32
        %dma_start3A_1011 = arith.constant 4 : i32
        %dma_start3A_1012 = arith.constant 0 : i32
        %dma_start3A_1013 = arith.constant 0 : i32
        %dma_start3A_1014 = tpu.memref_slice %arg6[%dma_start3A_1011, %dma_start3A_1012, %dma_start3A_1013] : memref<16x32x128xf32, #tpu.memory_space<vmem>> -> memref<1x32x128xf32, #tpu.memory_space<vmem>>
        %dma_start3A_1015 = tpu.memref_squeeze %dma_start3A_1014 : memref<1x32x128xf32, #tpu.memory_space<vmem>> -> memref<32x128xf32, #tpu.memory_space<vmem>>
        %dma_start3A_1016 = arith.constant 0 : i32
        %dma_start3A_1017 = tpu.memref_slice %arg2[%dma_start3A_1016, %multiple_of3A_1010] : memref<32x1000000xf32, #tpu.memory_space<hbm>> -> memref<32x128xf32, #tpu.memory_space<hbm>>
        %dma_start3A_1018 = arith.constant 0 : i32
        %dma_start3A_1019 = arith.constant 0 : i32
        %dma_start3A_1020 = tpu.memref_slice %arg6[%dma_start3A_1011, %dma_start3A_1018, %dma_start3A_1019] : memref<16x32x128xf32, #tpu.memory_space<vmem>> -> memref<1x32x128xf32, #tpu.memory_space<vmem>>
        %dma_start3A_1021 = tpu.memref_squeeze %dma_start3A_1020 : memref<1x32x128xf32, #tpu.memory_space<vmem>> -> memref<32x128xf32, #tpu.memory_space<vmem>>
        %dma_start3A_1022 = arith.constant 0 : i32
        %dma_start3A_1023 = tpu.memref_slice %arg2[%dma_start3A_1022, %multiple_of3A_1010] : memref<32x1000000xf32, #tpu.memory_space<hbm>> -> memref<32x128xf32, #tpu.memory_space<hbm>>
        tpu.enqueue_dma source(%dma_start3A_1023 : memref<32x128xf32, #tpu.memory_space<hbm>>) target(%dma_start3A_1021 : memref<32x128xf32, #tpu.memory_space<vmem>>) target_semaphore(%arg12 : memref<!tpu.dma_semaphore, #tpu.memory_space<semaphore_mem>>)
      } else {
      }
      %dma_wait3A_542 = arith.constant 5 : i32
      %dma_wait3A_543 = arith.constant 0 : i32
      %dma_wait3A_544 = arith.constant 0 : i32
      %dma_wait3A_545 = tpu.memref_slice %arg6[%dma_wait3A_542, %dma_wait3A_543, %dma_wait3A_544] : memref<16x32x128xf32, #tpu.memory_space<vmem>> -> memref<1x32x128xf32, #tpu.memory_space<vmem>>
      %dma_wait3A_546 = tpu.memref_squeeze %dma_wait3A_545 : memref<1x32x128xf32, #tpu.memory_space<vmem>> -> memref<32x128xf32, #tpu.memory_space<vmem>>
      %dma_wait3A_547 = arith.constant 0 : i32
      %dma_wait3A_548 = arith.constant 0 : i32
      %dma_wait3A_549 = tpu.memref_slice %arg2[%dma_wait3A_547, %dma_wait3A_548] : memref<32x1000000xf32, #tpu.memory_space<hbm>> -> memref<32x128xf32, #tpu.memory_space<hbm>>
      %dma_wait3A_550 = arith.constant 0 : i32
      %dma_wait3A_551 = arith.constant 0 : i32
      %dma_wait3A_552 = tpu.memref_slice %arg6[%dma_wait3A_542, %dma_wait3A_550, %dma_wait3A_551] : memref<16x32x128xf32, #tpu.memory_space<vmem>> -> memref<1x32x128xf32, #tpu.memory_space<vmem>>
      %dma_wait3A_553 = tpu.memref_squeeze %dma_wait3A_552 : memref<1x32x128xf32, #tpu.memory_space<vmem>> -> memref<32x128xf32, #tpu.memory_space<vmem>>
      %dma_wait3A_554 = arith.constant 0 : i32
      %dma_wait3A_555 = arith.constant 0 : i32
      %dma_wait3A_556 = tpu.memref_slice %arg2[%dma_wait3A_554, %dma_wait3A_555] : memref<32x1000000xf32, #tpu.memory_space<hbm>> -> memref<32x128xf32, #tpu.memory_space<hbm>>
      tpu.wait_dma2 semaphore(%arg13 : memref<!tpu.dma_semaphore, #tpu.memory_space<semaphore_mem>>) src(%dma_wait3A_556 : memref<32x128xf32, #tpu.memory_space<hbm>>) dst(%dma_wait3A_553 : memref<32x128xf32, #tpu.memory_space<vmem>>)
      %slice3A_557 = vector.extract_strided_slice %get3A_333 {offsets = [5], sizes = [1], strides = [1]} : vector<16xi32> to vector<1xi32>
      %squeeze3A_558 = vector.extract %slice3A_557[0] : i32 from vector<1xi32>
      %add3A_559 = arith.constant 5 : i32
      %add3A_560 = arith.addi %mul3A_331, %add3A_559 : i32
      %and3A_561 = arith.constant 127 : i32
      %and3A_562 = arith.andi %squeeze3A_558, %and3A_561 : i32
      %broadcast_in_dim3A_563 = vector.broadcast %and3A_562 : i32 to vector<16xi32>
      %broadcast_in_dim3A_564 = vector.broadcast %add3A_560 : i32 to vector<16xi32>
      %gather3A_565 = arith.constant 5 : i32
      %gather3A_566 = arith.constant 0 : i32
      %gather3A_567 = arith.constant 0 : i32
      %gather3A_568 = tpu.memref_slice %arg6[%gather3A_565, %gather3A_566, %gather3A_567] : memref<16x32x128xf32, #tpu.memory_space<vmem>> -> memref<1x32x128xf32, #tpu.memory_space<vmem>>
      %gather3A_569 = tpu.memref_squeeze %gather3A_568 : memref<1x32x128xf32, #tpu.memory_space<vmem>> -> memref<32x128xf32, #tpu.memory_space<vmem>>
      %gather3A_570 = tpu.vector_load_idx %gather3A_569[%iota3A, %broadcast_in_dim3A_563] : memref<32x128xf32, #tpu.memory_space<vmem>>[vector<16xi32>, vector<16xi32>], vector<16xf32>,
      %gather3A_571 = arith.constant 5 : i32
      %gather3A_572 = arith.constant 0 : i32
      %gather3A_573 = arith.constant 0 : i32
      %gather3A_574 = tpu.memref_slice %arg6[%gather3A_571, %gather3A_572, %gather3A_573] : memref<16x32x128xf32, #tpu.memory_space<vmem>> -> memref<1x32x128xf32, #tpu.memory_space<vmem>>
      %gather3A_575 = tpu.memref_squeeze %gather3A_574 : memref<1x32x128xf32, #tpu.memory_space<vmem>> -> memref<32x128xf32, #tpu.memory_space<vmem>>
      %gather3A_576 = tpu.vector_load_idx %gather3A_575[%add3A_5, %broadcast_in_dim3A_563] : memref<32x128xf32, #tpu.memory_space<vmem>>[vector<16xi32>, vector<16xi32>], vector<16xf32>,
      tpu.vector_store_idx %arg7[%iota3A, %broadcast_in_dim3A_564], %gather3A_570 : memref<32x512xf32, #tpu.memory_space<vmem>>[vector<16xi32>, vector<16xi32>], vector<16xf32>,
      tpu.vector_store_idx %arg7[%add3A_5, %broadcast_in_dim3A_564], %gather3A_576 : memref<32x512xf32, #tpu.memory_space<vmem>>[vector<16xi32>, vector<16xi32>], vector<16xf32>,
      %add3A_577 = arith.constant 1 : i32
      %add3A_578 = arith.addi %add3A_329, %add3A_577 : i32
      %lt3A_579 = arith.constant 32 : i32
      %lt3A_580 = arith.cmpi slt, %add3A_578, %lt3A_579 : i32
      %convert_element_type3A_581 = arith.extui %lt3A_580 : i1 to i32
      %cond3A_582 = arith.constant 0 : i32
      %cond3A_583 = arith.cmpi ne, %convert_element_type3A_581, %cond3A_582 : i32
      scf.if %cond3A_583 {
        %slice3A_1004 = vector.extract_strided_slice %get3A_338 {offsets = [5], sizes = [1], strides = [1]} : vector<16xi32> to vector<1xi32>
        %squeeze3A_1005 = vector.extract %slice3A_1004[0] : i32 from vector<1xi32>
        %shift_right_arithmetic3A_1006 = arith.constant 7 : i32
        %shift_right_arithmetic3A_1007 = arith.shrsi %squeeze3A_1005, %shift_right_arithmetic3A_1006 : i32
        %shift_left3A_1008 = arith.constant 7 : i32
        %shift_left3A_1009 = arith.shli %shift_right_arithmetic3A_1007, %shift_left3A_1008 : i32
        %multiple_of3A_1010 = tpu.assume_multiple %shift_left3A_1009, 128 : i32
        %dma_start3A_1011 = arith.constant 5 : i32
        %dma_start3A_1012 = arith.constant 0 : i32
        %dma_start3A_1013 = arith.constant 0 : i32
        %dma_start3A_1014 = tpu.memref_slice %arg6[%dma_start3A_1011, %dma_start3A_1012, %dma_start3A_1013] : memref<16x32x128xf32, #tpu.memory_space<vmem>> -> memref<1x32x128xf32, #tpu.memory_space<vmem>>
        %dma_start3A_1015 = tpu.memref_squeeze %dma_start3A_1014 : memref<1x32x128xf32, #tpu.memory_space<vmem>> -> memref<32x128xf32, #tpu.memory_space<vmem>>
        %dma_start3A_1016 = arith.constant 0 : i32
        %dma_start3A_1017 = tpu.memref_slice %arg2[%dma_start3A_1016, %multiple_of3A_1010] : memref<32x1000000xf32, #tpu.memory_space<hbm>> -> memref<32x128xf32, #tpu.memory_space<hbm>>
        %dma_start3A_1018 = arith.constant 0 : i32
        %dma_start3A_1019 = arith.constant 0 : i32
        %dma_start3A_1020 = tpu.memref_slice %arg6[%dma_start3A_1011, %dma_start3A_1018, %dma_start3A_1019] : memref<16x32x128xf32, #tpu.memory_space<vmem>> -> memref<1x32x128xf32, #tpu.memory_space<vmem>>
        %dma_start3A_1021 = tpu.memref_squeeze %dma_start3A_1020 : memref<1x32x128xf32, #tpu.memory_space<vmem>> -> memref<32x128xf32, #tpu.memory_space<vmem>>
        %dma_start3A_1022 = arith.constant 0 : i32
        %dma_start3A_1023 = tpu.memref_slice %arg2[%dma_start3A_1022, %multiple_of3A_1010] : memref<32x1000000xf32, #tpu.memory_space<hbm>> -> memref<32x128xf32, #tpu.memory_space<hbm>>
        tpu.enqueue_dma source(%dma_start3A_1023 : memref<32x128xf32, #tpu.memory_space<hbm>>) target(%dma_start3A_1021 : memref<32x128xf32, #tpu.memory_space<vmem>>) target_semaphore(%arg13 : memref<!tpu.dma_semaphore, #tpu.memory_space<semaphore_mem>>)
      } else {
      }
      %dma_wait3A_584 = arith.constant 6 : i32
      %dma_wait3A_585 = arith.constant 0 : i32
      %dma_wait3A_586 = arith.constant 0 : i32
      %dma_wait3A_587 = tpu.memref_slice %arg6[%dma_wait3A_584, %dma_wait3A_585, %dma_wait3A_586] : memref<16x32x128xf32, #tpu.memory_space<vmem>> -> memref<1x32x128xf32, #tpu.memory_space<vmem>>
      %dma_wait3A_588 = tpu.memref_squeeze %dma_wait3A_587 : memref<1x32x128xf32, #tpu.memory_space<vmem>> -> memref<32x128xf32, #tpu.memory_space<vmem>>
      %dma_wait3A_589 = arith.constant 0 : i32
      %dma_wait3A_590 = arith.constant 0 : i32
      %dma_wait3A_591 = tpu.memref_slice %arg2[%dma_wait3A_589, %dma_wait3A_590] : memref<32x1000000xf32, #tpu.memory_space<hbm>> -> memref<32x128xf32, #tpu.memory_space<hbm>>
      %dma_wait3A_592 = arith.constant 0 : i32
      %dma_wait3A_593 = arith.constant 0 : i32
      %dma_wait3A_594 = tpu.memref_slice %arg6[%dma_wait3A_584, %dma_wait3A_592, %dma_wait3A_593] : memref<16x32x128xf32, #tpu.memory_space<vmem>> -> memref<1x32x128xf32, #tpu.memory_space<vmem>>
      %dma_wait3A_595 = tpu.memref_squeeze %dma_wait3A_594 : memref<1x32x128xf32, #tpu.memory_space<vmem>> -> memref<32x128xf32, #tpu.memory_space<vmem>>
      %dma_wait3A_596 = arith.constant 0 : i32
      %dma_wait3A_597 = arith.constant 0 : i32
      %dma_wait3A_598 = tpu.memref_slice %arg2[%dma_wait3A_596, %dma_wait3A_597] : memref<32x1000000xf32, #tpu.memory_space<hbm>> -> memref<32x128xf32, #tpu.memory_space<hbm>>
      tpu.wait_dma2 semaphore(%arg14 : memref<!tpu.dma_semaphore, #tpu.memory_space<semaphore_mem>>) src(%dma_wait3A_598 : memref<32x128xf32, #tpu.memory_space<hbm>>) dst(%dma_wait3A_595 : memref<32x128xf32, #tpu.memory_space<vmem>>)
      %slice3A_599 = vector.extract_strided_slice %get3A_333 {offsets = [6], sizes = [1], strides = [1]} : vector<16xi32> to vector<1xi32>
      %squeeze3A_600 = vector.extract %slice3A_599[0] : i32 from vector<1xi32>
      %add3A_601 = arith.constant 6 : i32
      %add3A_602 = arith.addi %mul3A_331, %add3A_601 : i32
      %and3A_603 = arith.constant 127 : i32
      %and3A_604 = arith.andi %squeeze3A_600, %and3A_603 : i32
      %broadcast_in_dim3A_605 = vector.broadcast %and3A_604 : i32 to vector<16xi32>
      %broadcast_in_dim3A_606 = vector.broadcast %add3A_602 : i32 to vector<16xi32>
      %gather3A_607 = arith.constant 6 : i32
      %gather3A_608 = arith.constant 0 : i32
      %gather3A_609 = arith.constant 0 : i32
      %gather3A_610 = tpu.memref_slice %arg6[%gather3A_607, %gather3A_608, %gather3A_609] : memref<16x32x128xf32, #tpu.memory_space<vmem>> -> memref<1x32x128xf32, #tpu.memory_space<vmem>>
      %gather3A_611 = tpu.memref_squeeze %gather3A_610 : memref<1x32x128xf32, #tpu.memory_space<vmem>> -> memref<32x128xf32, #tpu.memory_space<vmem>>
      %gather3A_612 = tpu.vector_load_idx %gather3A_611[%iota3A, %broadcast_in_dim3A_605] : memref<32x128xf32, #tpu.memory_space<vmem>>[vector<16xi32>, vector<16xi32>], vector<16xf32>,
      %gather3A_613 = arith.constant 6 : i32
      %gather3A_614 = arith.constant 0 : i32
      %gather3A_615 = arith.constant 0 : i32
      %gather3A_616 = tpu.memref_slice %arg6[%gather3A_613, %gather3A_614, %gather3A_615] : memref<16x32x128xf32, #tpu.memory_space<vmem>> -> memref<1x32x128xf32, #tpu.memory_space<vmem>>
      %gather3A_617 = tpu.memref_squeeze %gather3A_616 : memref<1x32x128xf32, #tpu.memory_space<vmem>> -> memref<32x128xf32, #tpu.memory_space<vmem>>
      %gather3A_618 = tpu.vector_load_idx %gather3A_617[%add3A_5, %broadcast_in_dim3A_605] : memref<32x128xf32, #tpu.memory_space<vmem>>[vector<16xi32>, vector<16xi32>], vector<16xf32>,
      tpu.vector_store_idx %arg7[%iota3A, %broadcast_in_dim3A_606], %gather3A_612 : memref<32x512xf32, #tpu.memory_space<vmem>>[vector<16xi32>, vector<16xi32>], vector<16xf32>,
      tpu.vector_store_idx %arg7[%add3A_5, %broadcast_in_dim3A_606], %gather3A_618 : memref<32x512xf32, #tpu.memory_space<vmem>>[vector<16xi32>, vector<16xi32>], vector<16xf32>,
      %add3A_619 = arith.constant 1 : i32
      %add3A_620 = arith.addi %add3A_329, %add3A_619 : i32
      %lt3A_621 = arith.constant 32 : i32
      %lt3A_622 = arith.cmpi slt, %add3A_620, %lt3A_621 : i32
      %convert_element_type3A_623 = arith.extui %lt3A_622 : i1 to i32
      %cond3A_624 = arith.constant 0 : i32
      %cond3A_625 = arith.cmpi ne, %convert_element_type3A_623, %cond3A_624 : i32
      scf.if %cond3A_625 {
        %slice3A_1004 = vector.extract_strided_slice %get3A_338 {offsets = [6], sizes = [1], strides = [1]} : vector<16xi32> to vector<1xi32>
        %squeeze3A_1005 = vector.extract %slice3A_1004[0] : i32 from vector<1xi32>
        %shift_right_arithmetic3A_1006 = arith.constant 7 : i32
        %shift_right_arithmetic3A_1007 = arith.shrsi %squeeze3A_1005, %shift_right_arithmetic3A_1006 : i32
        %shift_left3A_1008 = arith.constant 7 : i32
        %shift_left3A_1009 = arith.shli %shift_right_arithmetic3A_1007, %shift_left3A_1008 : i32
        %multiple_of3A_1010 = tpu.assume_multiple %shift_left3A_1009, 128 : i32
        %dma_start3A_1011 = arith.constant 6 : i32
        %dma_start3A_1012 = arith.constant 0 : i32
        %dma_start3A_1013 = arith.constant 0 : i32
        %dma_start3A_1014 = tpu.memref_slice %arg6[%dma_start3A_1011, %dma_start3A_1012, %dma_start3A_1013] : memref<16x32x128xf32, #tpu.memory_space<vmem>> -> memref<1x32x128xf32, #tpu.memory_space<vmem>>
        %dma_start3A_1015 = tpu.memref_squeeze %dma_start3A_1014 : memref<1x32x128xf32, #tpu.memory_space<vmem>> -> memref<32x128xf32, #tpu.memory_space<vmem>>
        %dma_start3A_1016 = arith.constant 0 : i32
        %dma_start3A_1017 = tpu.memref_slice %arg2[%dma_start3A_1016, %multiple_of3A_1010] : memref<32x1000000xf32, #tpu.memory_space<hbm>> -> memref<32x128xf32, #tpu.memory_space<hbm>>
        %dma_start3A_1018 = arith.constant 0 : i32
        %dma_start3A_1019 = arith.constant 0 : i32
        %dma_start3A_1020 = tpu.memref_slice %arg6[%dma_start3A_1011, %dma_start3A_1018, %dma_start3A_1019] : memref<16x32x128xf32, #tpu.memory_space<vmem>> -> memref<1x32x128xf32, #tpu.memory_space<vmem>>
        %dma_start3A_1021 = tpu.memref_squeeze %dma_start3A_1020 : memref<1x32x128xf32, #tpu.memory_space<vmem>> -> memref<32x128xf32, #tpu.memory_space<vmem>>
        %dma_start3A_1022 = arith.constant 0 : i32
        %dma_start3A_1023 = tpu.memref_slice %arg2[%dma_start3A_1022, %multiple_of3A_1010] : memref<32x1000000xf32, #tpu.memory_space<hbm>> -> memref<32x128xf32, #tpu.memory_space<hbm>>
        tpu.enqueue_dma source(%dma_start3A_1023 : memref<32x128xf32, #tpu.memory_space<hbm>>) target(%dma_start3A_1021 : memref<32x128xf32, #tpu.memory_space<vmem>>) target_semaphore(%arg14 : memref<!tpu.dma_semaphore, #tpu.memory_space<semaphore_mem>>)
      } else {
      }
      %dma_wait3A_626 = arith.constant 7 : i32
      %dma_wait3A_627 = arith.constant 0 : i32
      %dma_wait3A_628 = arith.constant 0 : i32
      %dma_wait3A_629 = tpu.memref_slice %arg6[%dma_wait3A_626, %dma_wait3A_627, %dma_wait3A_628] : memref<16x32x128xf32, #tpu.memory_space<vmem>> -> memref<1x32x128xf32, #tpu.memory_space<vmem>>
      %dma_wait3A_630 = tpu.memref_squeeze %dma_wait3A_629 : memref<1x32x128xf32, #tpu.memory_space<vmem>> -> memref<32x128xf32, #tpu.memory_space<vmem>>
      %dma_wait3A_631 = arith.constant 0 : i32
      %dma_wait3A_632 = arith.constant 0 : i32
      %dma_wait3A_633 = tpu.memref_slice %arg2[%dma_wait3A_631, %dma_wait3A_632] : memref<32x1000000xf32, #tpu.memory_space<hbm>> -> memref<32x128xf32, #tpu.memory_space<hbm>>
      %dma_wait3A_634 = arith.constant 0 : i32
      %dma_wait3A_635 = arith.constant 0 : i32
      %dma_wait3A_636 = tpu.memref_slice %arg6[%dma_wait3A_626, %dma_wait3A_634, %dma_wait3A_635] : memref<16x32x128xf32, #tpu.memory_space<vmem>> -> memref<1x32x128xf32, #tpu.memory_space<vmem>>
      %dma_wait3A_637 = tpu.memref_squeeze %dma_wait3A_636 : memref<1x32x128xf32, #tpu.memory_space<vmem>> -> memref<32x128xf32, #tpu.memory_space<vmem>>
      %dma_wait3A_638 = arith.constant 0 : i32
      %dma_wait3A_639 = arith.constant 0 : i32
      %dma_wait3A_640 = tpu.memref_slice %arg2[%dma_wait3A_638, %dma_wait3A_639] : memref<32x1000000xf32, #tpu.memory_space<hbm>> -> memref<32x128xf32, #tpu.memory_space<hbm>>
      tpu.wait_dma2 semaphore(%arg15 : memref<!tpu.dma_semaphore, #tpu.memory_space<semaphore_mem>>) src(%dma_wait3A_640 : memref<32x128xf32, #tpu.memory_space<hbm>>) dst(%dma_wait3A_637 : memref<32x128xf32, #tpu.memory_space<vmem>>)
      %slice3A_641 = vector.extract_strided_slice %get3A_333 {offsets = [7], sizes = [1], strides = [1]} : vector<16xi32> to vector<1xi32>
      %squeeze3A_642 = vector.extract %slice3A_641[0] : i32 from vector<1xi32>
      %add3A_643 = arith.constant 7 : i32
      %add3A_644 = arith.addi %mul3A_331, %add3A_643 : i32
      %and3A_645 = arith.constant 127 : i32
      %and3A_646 = arith.andi %squeeze3A_642, %and3A_645 : i32
      %broadcast_in_dim3A_647 = vector.broadcast %and3A_646 : i32 to vector<16xi32>
      %broadcast_in_dim3A_648 = vector.broadcast %add3A_644 : i32 to vector<16xi32>
      %gather3A_649 = arith.constant 7 : i32
      %gather3A_650 = arith.constant 0 : i32
      %gather3A_651 = arith.constant 0 : i32
      %gather3A_652 = tpu.memref_slice %arg6[%gather3A_649, %gather3A_650, %gather3A_651] : memref<16x32x128xf32, #tpu.memory_space<vmem>> -> memref<1x32x128xf32, #tpu.memory_space<vmem>>
      %gather3A_653 = tpu.memref_squeeze %gather3A_652 : memref<1x32x128xf32, #tpu.memory_space<vmem>> -> memref<32x128xf32, #tpu.memory_space<vmem>>
      %gather3A_654 = tpu.vector_load_idx %gather3A_653[%iota3A, %broadcast_in_dim3A_647] : memref<32x128xf32, #tpu.memory_space<vmem>>[vector<16xi32>, vector<16xi32>], vector<16xf32>,
      %gather3A_655 = arith.constant 7 : i32
      %gather3A_656 = arith.constant 0 : i32
      %gather3A_657 = arith.constant 0 : i32
      %gather3A_658 = tpu.memref_slice %arg6[%gather3A_655, %gather3A_656, %gather3A_657] : memref<16x32x128xf32, #tpu.memory_space<vmem>> -> memref<1x32x128xf32, #tpu.memory_space<vmem>>
      %gather3A_659 = tpu.memref_squeeze %gather3A_658 : memref<1x32x128xf32, #tpu.memory_space<vmem>> -> memref<32x128xf32, #tpu.memory_space<vmem>>
      %gather3A_660 = tpu.vector_load_idx %gather3A_659[%add3A_5, %broadcast_in_dim3A_647] : memref<32x128xf32, #tpu.memory_space<vmem>>[vector<16xi32>, vector<16xi32>], vector<16xf32>,
      tpu.vector_store_idx %arg7[%iota3A, %broadcast_in_dim3A_648], %gather3A_654 : memref<32x512xf32, #tpu.memory_space<vmem>>[vector<16xi32>, vector<16xi32>], vector<16xf32>,
      tpu.vector_store_idx %arg7[%add3A_5, %broadcast_in_dim3A_648], %gather3A_660 : memref<32x512xf32, #tpu.memory_space<vmem>>[vector<16xi32>, vector<16xi32>], vector<16xf32>,
      %add3A_661 = arith.constant 1 : i32
      %add3A_662 = arith.addi %add3A_329, %add3A_661 : i32
      %lt3A_663 = arith.constant 32 : i32
      %lt3A_664 = arith.cmpi slt, %add3A_662, %lt3A_663 : i32
      %convert_element_type3A_665 = arith.extui %lt3A_664 : i1 to i32
      %cond3A_666 = arith.constant 0 : i32
      %cond3A_667 = arith.cmpi ne, %convert_element_type3A_665, %cond3A_666 : i32
      scf.if %cond3A_667 {
        %slice3A_1004 = vector.extract_strided_slice %get3A_338 {offsets = [7], sizes = [1], strides = [1]} : vector<16xi32> to vector<1xi32>
        %squeeze3A_1005 = vector.extract %slice3A_1004[0] : i32 from vector<1xi32>
        %shift_right_arithmetic3A_1006 = arith.constant 7 : i32
        %shift_right_arithmetic3A_1007 = arith.shrsi %squeeze3A_1005, %shift_right_arithmetic3A_1006 : i32
        %shift_left3A_1008 = arith.constant 7 : i32
        %shift_left3A_1009 = arith.shli %shift_right_arithmetic3A_1007, %shift_left3A_1008 : i32
        %multiple_of3A_1010 = tpu.assume_multiple %shift_left3A_1009, 128 : i32
        %dma_start3A_1011 = arith.constant 7 : i32
        %dma_start3A_1012 = arith.constant 0 : i32
        %dma_start3A_1013 = arith.constant 0 : i32
        %dma_start3A_1014 = tpu.memref_slice %arg6[%dma_start3A_1011, %dma_start3A_1012, %dma_start3A_1013] : memref<16x32x128xf32, #tpu.memory_space<vmem>> -> memref<1x32x128xf32, #tpu.memory_space<vmem>>
        %dma_start3A_1015 = tpu.memref_squeeze %dma_start3A_1014 : memref<1x32x128xf32, #tpu.memory_space<vmem>> -> memref<32x128xf32, #tpu.memory_space<vmem>>
        %dma_start3A_1016 = arith.constant 0 : i32
        %dma_start3A_1017 = tpu.memref_slice %arg2[%dma_start3A_1016, %multiple_of3A_1010] : memref<32x1000000xf32, #tpu.memory_space<hbm>> -> memref<32x128xf32, #tpu.memory_space<hbm>>
        %dma_start3A_1018 = arith.constant 0 : i32
        %dma_start3A_1019 = arith.constant 0 : i32
        %dma_start3A_1020 = tpu.memref_slice %arg6[%dma_start3A_1011, %dma_start3A_1018, %dma_start3A_1019] : memref<16x32x128xf32, #tpu.memory_space<vmem>> -> memref<1x32x128xf32, #tpu.memory_space<vmem>>
        %dma_start3A_1021 = tpu.memref_squeeze %dma_start3A_1020 : memref<1x32x128xf32, #tpu.memory_space<vmem>> -> memref<32x128xf32, #tpu.memory_space<vmem>>
        %dma_start3A_1022 = arith.constant 0 : i32
        %dma_start3A_1023 = tpu.memref_slice %arg2[%dma_start3A_1022, %multiple_of3A_1010] : memref<32x1000000xf32, #tpu.memory_space<hbm>> -> memref<32x128xf32, #tpu.memory_space<hbm>>
        tpu.enqueue_dma source(%dma_start3A_1023 : memref<32x128xf32, #tpu.memory_space<hbm>>) target(%dma_start3A_1021 : memref<32x128xf32, #tpu.memory_space<vmem>>) target_semaphore(%arg15 : memref<!tpu.dma_semaphore, #tpu.memory_space<semaphore_mem>>)
      } else {
      }
      %dma_wait3A_668 = arith.constant 8 : i32
      %dma_wait3A_669 = arith.constant 0 : i32
      %dma_wait3A_670 = arith.constant 0 : i32
      %dma_wait3A_671 = tpu.memref_slice %arg6[%dma_wait3A_668, %dma_wait3A_669, %dma_wait3A_670] : memref<16x32x128xf32, #tpu.memory_space<vmem>> -> memref<1x32x128xf32, #tpu.memory_space<vmem>>
      %dma_wait3A_672 = tpu.memref_squeeze %dma_wait3A_671 : memref<1x32x128xf32, #tpu.memory_space<vmem>> -> memref<32x128xf32, #tpu.memory_space<vmem>>
      %dma_wait3A_673 = arith.constant 0 : i32
      %dma_wait3A_674 = arith.constant 0 : i32
      %dma_wait3A_675 = tpu.memref_slice %arg2[%dma_wait3A_673, %dma_wait3A_674] : memref<32x1000000xf32, #tpu.memory_space<hbm>> -> memref<32x128xf32, #tpu.memory_space<hbm>>
      %dma_wait3A_676 = arith.constant 0 : i32
      %dma_wait3A_677 = arith.constant 0 : i32
      %dma_wait3A_678 = tpu.memref_slice %arg6[%dma_wait3A_668, %dma_wait3A_676, %dma_wait3A_677] : memref<16x32x128xf32, #tpu.memory_space<vmem>> -> memref<1x32x128xf32, #tpu.memory_space<vmem>>
      %dma_wait3A_679 = tpu.memref_squeeze %dma_wait3A_678 : memref<1x32x128xf32, #tpu.memory_space<vmem>> -> memref<32x128xf32, #tpu.memory_space<vmem>>
      %dma_wait3A_680 = arith.constant 0 : i32
      %dma_wait3A_681 = arith.constant 0 : i32
      %dma_wait3A_682 = tpu.memref_slice %arg2[%dma_wait3A_680, %dma_wait3A_681] : memref<32x1000000xf32, #tpu.memory_space<hbm>> -> memref<32x128xf32, #tpu.memory_space<hbm>>
      tpu.wait_dma2 semaphore(%arg16 : memref<!tpu.dma_semaphore, #tpu.memory_space<semaphore_mem>>) src(%dma_wait3A_682 : memref<32x128xf32, #tpu.memory_space<hbm>>) dst(%dma_wait3A_679 : memref<32x128xf32, #tpu.memory_space<vmem>>)
      %slice3A_683 = vector.extract_strided_slice %get3A_333 {offsets = [8], sizes = [1], strides = [1]} : vector<16xi32> to vector<1xi32>
      %squeeze3A_684 = vector.extract %slice3A_683[0] : i32 from vector<1xi32>
      %add3A_685 = arith.constant 8 : i32
      %add3A_686 = arith.addi %mul3A_331, %add3A_685 : i32
      %and3A_687 = arith.constant 127 : i32
      %and3A_688 = arith.andi %squeeze3A_684, %and3A_687 : i32
      %broadcast_in_dim3A_689 = vector.broadcast %and3A_688 : i32 to vector<16xi32>
      %broadcast_in_dim3A_690 = vector.broadcast %add3A_686 : i32 to vector<16xi32>
      %gather3A_691 = arith.constant 8 : i32
      %gather3A_692 = arith.constant 0 : i32
      %gather3A_693 = arith.constant 0 : i32
      %gather3A_694 = tpu.memref_slice %arg6[%gather3A_691, %gather3A_692, %gather3A_693] : memref<16x32x128xf32, #tpu.memory_space<vmem>> -> memref<1x32x128xf32, #tpu.memory_space<vmem>>
      %gather3A_695 = tpu.memref_squeeze %gather3A_694 : memref<1x32x128xf32, #tpu.memory_space<vmem>> -> memref<32x128xf32, #tpu.memory_space<vmem>>
      %gather3A_696 = tpu.vector_load_idx %gather3A_695[%iota3A, %broadcast_in_dim3A_689] : memref<32x128xf32, #tpu.memory_space<vmem>>[vector<16xi32>, vector<16xi32>], vector<16xf32>,
      %gather3A_697 = arith.constant 8 : i32
      %gather3A_698 = arith.constant 0 : i32
      %gather3A_699 = arith.constant 0 : i32
      %gather3A_700 = tpu.memref_slice %arg6[%gather3A_697, %gather3A_698, %gather3A_699] : memref<16x32x128xf32, #tpu.memory_space<vmem>> -> memref<1x32x128xf32, #tpu.memory_space<vmem>>
      %gather3A_701 = tpu.memref_squeeze %gather3A_700 : memref<1x32x128xf32, #tpu.memory_space<vmem>> -> memref<32x128xf32, #tpu.memory_space<vmem>>
      %gather3A_702 = tpu.vector_load_idx %gather3A_701[%add3A_5, %broadcast_in_dim3A_689] : memref<32x128xf32, #tpu.memory_space<vmem>>[vector<16xi32>, vector<16xi32>], vector<16xf32>,
      tpu.vector_store_idx %arg7[%iota3A, %broadcast_in_dim3A_690], %gather3A_696 : memref<32x512xf32, #tpu.memory_space<vmem>>[vector<16xi32>, vector<16xi32>], vector<16xf32>,
      tpu.vector_store_idx %arg7[%add3A_5, %broadcast_in_dim3A_690], %gather3A_702 : memref<32x512xf32, #tpu.memory_space<vmem>>[vector<16xi32>, vector<16xi32>], vector<16xf32>,
      %add3A_703 = arith.constant 1 : i32
      %add3A_704 = arith.addi %add3A_329, %add3A_703 : i32
      %lt3A_705 = arith.constant 32 : i32
      %lt3A_706 = arith.cmpi slt, %add3A_704, %lt3A_705 : i32
      %convert_element_type3A_707 = arith.extui %lt3A_706 : i1 to i32
      %cond3A_708 = arith.constant 0 : i32
      %cond3A_709 = arith.cmpi ne, %convert_element_type3A_707, %cond3A_708 : i32
      scf.if %cond3A_709 {
        %slice3A_1004 = vector.extract_strided_slice %get3A_338 {offsets = [8], sizes = [1], strides = [1]} : vector<16xi32> to vector<1xi32>
        %squeeze3A_1005 = vector.extract %slice3A_1004[0] : i32 from vector<1xi32>
        %shift_right_arithmetic3A_1006 = arith.constant 7 : i32
        %shift_right_arithmetic3A_1007 = arith.shrsi %squeeze3A_1005, %shift_right_arithmetic3A_1006 : i32
        %shift_left3A_1008 = arith.constant 7 : i32
        %shift_left3A_1009 = arith.shli %shift_right_arithmetic3A_1007, %shift_left3A_1008 : i32
        %multiple_of3A_1010 = tpu.assume_multiple %shift_left3A_1009, 128 : i32
        %dma_start3A_1011 = arith.constant 8 : i32
        %dma_start3A_1012 = arith.constant 0 : i32
        %dma_start3A_1013 = arith.constant 0 : i32
        %dma_start3A_1014 = tpu.memref_slice %arg6[%dma_start3A_1011, %dma_start3A_1012, %dma_start3A_1013] : memref<16x32x128xf32, #tpu.memory_space<vmem>> -> memref<1x32x128xf32, #tpu.memory_space<vmem>>
        %dma_start3A_1015 = tpu.memref_squeeze %dma_start3A_1014 : memref<1x32x128xf32, #tpu.memory_space<vmem>> -> memref<32x128xf32, #tpu.memory_space<vmem>>
        %dma_start3A_1016 = arith.constant 0 : i32
        %dma_start3A_1017 = tpu.memref_slice %arg2[%dma_start3A_1016, %multiple_of3A_1010] : memref<32x1000000xf32, #tpu.memory_space<hbm>> -> memref<32x128xf32, #tpu.memory_space<hbm>>
        %dma_start3A_1018 = arith.constant 0 : i32
        %dma_start3A_1019 = arith.constant 0 : i32
        %dma_start3A_1020 = tpu.memref_slice %arg6[%dma_start3A_1011, %dma_start3A_1018, %dma_start3A_1019] : memref<16x32x128xf32, #tpu.memory_space<vmem>> -> memref<1x32x128xf32, #tpu.memory_space<vmem>>
        %dma_start3A_1021 = tpu.memref_squeeze %dma_start3A_1020 : memref<1x32x128xf32, #tpu.memory_space<vmem>> -> memref<32x128xf32, #tpu.memory_space<vmem>>
        %dma_start3A_1022 = arith.constant 0 : i32
        %dma_start3A_1023 = tpu.memref_slice %arg2[%dma_start3A_1022, %multiple_of3A_1010] : memref<32x1000000xf32, #tpu.memory_space<hbm>> -> memref<32x128xf32, #tpu.memory_space<hbm>>
        tpu.enqueue_dma source(%dma_start3A_1023 : memref<32x128xf32, #tpu.memory_space<hbm>>) target(%dma_start3A_1021 : memref<32x128xf32, #tpu.memory_space<vmem>>) target_semaphore(%arg16 : memref<!tpu.dma_semaphore, #tpu.memory_space<semaphore_mem>>)
      } else {
      }
      %dma_wait3A_710 = arith.constant 9 : i32
      %dma_wait3A_711 = arith.constant 0 : i32
      %dma_wait3A_712 = arith.constant 0 : i32
      %dma_wait3A_713 = tpu.memref_slice %arg6[%dma_wait3A_710, %dma_wait3A_711, %dma_wait3A_712] : memref<16x32x128xf32, #tpu.memory_space<vmem>> -> memref<1x32x128xf32, #tpu.memory_space<vmem>>
      %dma_wait3A_714 = tpu.memref_squeeze %dma_wait3A_713 : memref<1x32x128xf32, #tpu.memory_space<vmem>> -> memref<32x128xf32, #tpu.memory_space<vmem>>
      %dma_wait3A_715 = arith.constant 0 : i32
      %dma_wait3A_716 = arith.constant 0 : i32
      %dma_wait3A_717 = tpu.memref_slice %arg2[%dma_wait3A_715, %dma_wait3A_716] : memref<32x1000000xf32, #tpu.memory_space<hbm>> -> memref<32x128xf32, #tpu.memory_space<hbm>>
      %dma_wait3A_718 = arith.constant 0 : i32
      %dma_wait3A_719 = arith.constant 0 : i32
      %dma_wait3A_720 = tpu.memref_slice %arg6[%dma_wait3A_710, %dma_wait3A_718, %dma_wait3A_719] : memref<16x32x128xf32, #tpu.memory_space<vmem>> -> memref<1x32x128xf32, #tpu.memory_space<vmem>>
      %dma_wait3A_721 = tpu.memref_squeeze %dma_wait3A_720 : memref<1x32x128xf32, #tpu.memory_space<vmem>> -> memref<32x128xf32, #tpu.memory_space<vmem>>
      %dma_wait3A_722 = arith.constant 0 : i32
      %dma_wait3A_723 = arith.constant 0 : i32
      %dma_wait3A_724 = tpu.memref_slice %arg2[%dma_wait3A_722, %dma_wait3A_723] : memref<32x1000000xf32, #tpu.memory_space<hbm>> -> memref<32x128xf32, #tpu.memory_space<hbm>>
      tpu.wait_dma2 semaphore(%arg17 : memref<!tpu.dma_semaphore, #tpu.memory_space<semaphore_mem>>) src(%dma_wait3A_724 : memref<32x128xf32, #tpu.memory_space<hbm>>) dst(%dma_wait3A_721 : memref<32x128xf32, #tpu.memory_space<vmem>>)
      %slice3A_725 = vector.extract_strided_slice %get3A_333 {offsets = [9], sizes = [1], strides = [1]} : vector<16xi32> to vector<1xi32>
      %squeeze3A_726 = vector.extract %slice3A_725[0] : i32 from vector<1xi32>
      %add3A_727 = arith.constant 9 : i32
      %add3A_728 = arith.addi %mul3A_331, %add3A_727 : i32
      %and3A_729 = arith.constant 127 : i32
      %and3A_730 = arith.andi %squeeze3A_726, %and3A_729 : i32
      %broadcast_in_dim3A_731 = vector.broadcast %and3A_730 : i32 to vector<16xi32>
      %broadcast_in_dim3A_732 = vector.broadcast %add3A_728 : i32 to vector<16xi32>
      %gather3A_733 = arith.constant 9 : i32
      %gather3A_734 = arith.constant 0 : i32
      %gather3A_735 = arith.constant 0 : i32
      %gather3A_736 = tpu.memref_slice %arg6[%gather3A_733, %gather3A_734, %gather3A_735] : memref<16x32x128xf32, #tpu.memory_space<vmem>> -> memref<1x32x128xf32, #tpu.memory_space<vmem>>
      %gather3A_737 = tpu.memref_squeeze %gather3A_736 : memref<1x32x128xf32, #tpu.memory_space<vmem>> -> memref<32x128xf32, #tpu.memory_space<vmem>>
      %gather3A_738 = tpu.vector_load_idx %gather3A_737[%iota3A, %broadcast_in_dim3A_731] : memref<32x128xf32, #tpu.memory_space<vmem>>[vector<16xi32>, vector<16xi32>], vector<16xf32>,
      %gather3A_739 = arith.constant 9 : i32
      %gather3A_740 = arith.constant 0 : i32
      %gather3A_741 = arith.constant 0 : i32
      %gather3A_742 = tpu.memref_slice %arg6[%gather3A_739, %gather3A_740, %gather3A_741] : memref<16x32x128xf32, #tpu.memory_space<vmem>> -> memref<1x32x128xf32, #tpu.memory_space<vmem>>
      %gather3A_743 = tpu.memref_squeeze %gather3A_742 : memref<1x32x128xf32, #tpu.memory_space<vmem>> -> memref<32x128xf32, #tpu.memory_space<vmem>>
      %gather3A_744 = tpu.vector_load_idx %gather3A_743[%add3A_5, %broadcast_in_dim3A_731] : memref<32x128xf32, #tpu.memory_space<vmem>>[vector<16xi32>, vector<16xi32>], vector<16xf32>,
      tpu.vector_store_idx %arg7[%iota3A, %broadcast_in_dim3A_732], %gather3A_738 : memref<32x512xf32, #tpu.memory_space<vmem>>[vector<16xi32>, vector<16xi32>], vector<16xf32>,
      tpu.vector_store_idx %arg7[%add3A_5, %broadcast_in_dim3A_732], %gather3A_744 : memref<32x512xf32, #tpu.memory_space<vmem>>[vector<16xi32>, vector<16xi32>], vector<16xf32>,
      %add3A_745 = arith.constant 1 : i32
      %add3A_746 = arith.addi %add3A_329, %add3A_745 : i32
      %lt3A_747 = arith.constant 32 : i32
      %lt3A_748 = arith.cmpi slt, %add3A_746, %lt3A_747 : i32
      %convert_element_type3A_749 = arith.extui %lt3A_748 : i1 to i32
      %cond3A_750 = arith.constant 0 : i32
      %cond3A_751 = arith.cmpi ne, %convert_element_type3A_749, %cond3A_750 : i32
      scf.if %cond3A_751 {
        %slice3A_1004 = vector.extract_strided_slice %get3A_338 {offsets = [9], sizes = [1], strides = [1]} : vector<16xi32> to vector<1xi32>
        %squeeze3A_1005 = vector.extract %slice3A_1004[0] : i32 from vector<1xi32>
        %shift_right_arithmetic3A_1006 = arith.constant 7 : i32
        %shift_right_arithmetic3A_1007 = arith.shrsi %squeeze3A_1005, %shift_right_arithmetic3A_1006 : i32
        %shift_left3A_1008 = arith.constant 7 : i32
        %shift_left3A_1009 = arith.shli %shift_right_arithmetic3A_1007, %shift_left3A_1008 : i32
        %multiple_of3A_1010 = tpu.assume_multiple %shift_left3A_1009, 128 : i32
        %dma_start3A_1011 = arith.constant 9 : i32
        %dma_start3A_1012 = arith.constant 0 : i32
        %dma_start3A_1013 = arith.constant 0 : i32
        %dma_start3A_1014 = tpu.memref_slice %arg6[%dma_start3A_1011, %dma_start3A_1012, %dma_start3A_1013] : memref<16x32x128xf32, #tpu.memory_space<vmem>> -> memref<1x32x128xf32, #tpu.memory_space<vmem>>
        %dma_start3A_1015 = tpu.memref_squeeze %dma_start3A_1014 : memref<1x32x128xf32, #tpu.memory_space<vmem>> -> memref<32x128xf32, #tpu.memory_space<vmem>>
        %dma_start3A_1016 = arith.constant 0 : i32
        %dma_start3A_1017 = tpu.memref_slice %arg2[%dma_start3A_1016, %multiple_of3A_1010] : memref<32x1000000xf32, #tpu.memory_space<hbm>> -> memref<32x128xf32, #tpu.memory_space<hbm>>
        %dma_start3A_1018 = arith.constant 0 : i32
        %dma_start3A_1019 = arith.constant 0 : i32
        %dma_start3A_1020 = tpu.memref_slice %arg6[%dma_start3A_1011, %dma_start3A_1018, %dma_start3A_1019] : memref<16x32x128xf32, #tpu.memory_space<vmem>> -> memref<1x32x128xf32, #tpu.memory_space<vmem>>
        %dma_start3A_1021 = tpu.memref_squeeze %dma_start3A_1020 : memref<1x32x128xf32, #tpu.memory_space<vmem>> -> memref<32x128xf32, #tpu.memory_space<vmem>>
        %dma_start3A_1022 = arith.constant 0 : i32
        %dma_start3A_1023 = tpu.memref_slice %arg2[%dma_start3A_1022, %multiple_of3A_1010] : memref<32x1000000xf32, #tpu.memory_space<hbm>> -> memref<32x128xf32, #tpu.memory_space<hbm>>
        tpu.enqueue_dma source(%dma_start3A_1023 : memref<32x128xf32, #tpu.memory_space<hbm>>) target(%dma_start3A_1021 : memref<32x128xf32, #tpu.memory_space<vmem>>) target_semaphore(%arg17 : memref<!tpu.dma_semaphore, #tpu.memory_space<semaphore_mem>>)
      } else {
      }
      %dma_wait3A_752 = arith.constant 10 : i32
      %dma_wait3A_753 = arith.constant 0 : i32
      %dma_wait3A_754 = arith.constant 0 : i32
      %dma_wait3A_755 = tpu.memref_slice %arg6[%dma_wait3A_752, %dma_wait3A_753, %dma_wait3A_754] : memref<16x32x128xf32, #tpu.memory_space<vmem>> -> memref<1x32x128xf32, #tpu.memory_space<vmem>>
      %dma_wait3A_756 = tpu.memref_squeeze %dma_wait3A_755 : memref<1x32x128xf32, #tpu.memory_space<vmem>> -> memref<32x128xf32, #tpu.memory_space<vmem>>
      %dma_wait3A_757 = arith.constant 0 : i32
      %dma_wait3A_758 = arith.constant 0 : i32
      %dma_wait3A_759 = tpu.memref_slice %arg2[%dma_wait3A_757, %dma_wait3A_758] : memref<32x1000000xf32, #tpu.memory_space<hbm>> -> memref<32x128xf32, #tpu.memory_space<hbm>>
      %dma_wait3A_760 = arith.constant 0 : i32
      %dma_wait3A_761 = arith.constant 0 : i32
      %dma_wait3A_762 = tpu.memref_slice %arg6[%dma_wait3A_752, %dma_wait3A_760, %dma_wait3A_761] : memref<16x32x128xf32, #tpu.memory_space<vmem>> -> memref<1x32x128xf32, #tpu.memory_space<vmem>>
      %dma_wait3A_763 = tpu.memref_squeeze %dma_wait3A_762 : memref<1x32x128xf32, #tpu.memory_space<vmem>> -> memref<32x128xf32, #tpu.memory_space<vmem>>
      %dma_wait3A_764 = arith.constant 0 : i32
      %dma_wait3A_765 = arith.constant 0 : i32
      %dma_wait3A_766 = tpu.memref_slice %arg2[%dma_wait3A_764, %dma_wait3A_765] : memref<32x1000000xf32, #tpu.memory_space<hbm>> -> memref<32x128xf32, #tpu.memory_space<hbm>>
      tpu.wait_dma2 semaphore(%arg18 : memref<!tpu.dma_semaphore, #tpu.memory_space<semaphore_mem>>) src(%dma_wait3A_766 : memref<32x128xf32, #tpu.memory_space<hbm>>) dst(%dma_wait3A_763 : memref<32x128xf32, #tpu.memory_space<vmem>>)
      %slice3A_767 = vector.extract_strided_slice %get3A_333 {offsets = [10], sizes = [1], strides = [1]} : vector<16xi32> to vector<1xi32>
      %squeeze3A_768 = vector.extract %slice3A_767[0] : i32 from vector<1xi32>
      %add3A_769 = arith.constant 10 : i32
      %add3A_770 = arith.addi %mul3A_331, %add3A_769 : i32
      %and3A_771 = arith.constant 127 : i32
      %and3A_772 = arith.andi %squeeze3A_768, %and3A_771 : i32
      %broadcast_in_dim3A_773 = vector.broadcast %and3A_772 : i32 to vector<16xi32>
      %broadcast_in_dim3A_774 = vector.broadcast %add3A_770 : i32 to vector<16xi32>
      %gather3A_775 = arith.constant 10 : i32
      %gather3A_776 = arith.constant 0 : i32
      %gather3A_777 = arith.constant 0 : i32
      %gather3A_778 = tpu.memref_slice %arg6[%gather3A_775, %gather3A_776, %gather3A_777] : memref<16x32x128xf32, #tpu.memory_space<vmem>> -> memref<1x32x128xf32, #tpu.memory_space<vmem>>
      %gather3A_779 = tpu.memref_squeeze %gather3A_778 : memref<1x32x128xf32, #tpu.memory_space<vmem>> -> memref<32x128xf32, #tpu.memory_space<vmem>>
      %gather3A_780 = tpu.vector_load_idx %gather3A_779[%iota3A, %broadcast_in_dim3A_773] : memref<32x128xf32, #tpu.memory_space<vmem>>[vector<16xi32>, vector<16xi32>], vector<16xf32>,
      %gather3A_781 = arith.constant 10 : i32
      %gather3A_782 = arith.constant 0 : i32
      %gather3A_783 = arith.constant 0 : i32
      %gather3A_784 = tpu.memref_slice %arg6[%gather3A_781, %gather3A_782, %gather3A_783] : memref<16x32x128xf32, #tpu.memory_space<vmem>> -> memref<1x32x128xf32, #tpu.memory_space<vmem>>
      %gather3A_785 = tpu.memref_squeeze %gather3A_784 : memref<1x32x128xf32, #tpu.memory_space<vmem>> -> memref<32x128xf32, #tpu.memory_space<vmem>>
      %gather3A_786 = tpu.vector_load_idx %gather3A_785[%add3A_5, %broadcast_in_dim3A_773] : memref<32x128xf32, #tpu.memory_space<vmem>>[vector<16xi32>, vector<16xi32>], vector<16xf32>,
      tpu.vector_store_idx %arg7[%iota3A, %broadcast_in_dim3A_774], %gather3A_780 : memref<32x512xf32, #tpu.memory_space<vmem>>[vector<16xi32>, vector<16xi32>], vector<16xf32>,
      tpu.vector_store_idx %arg7[%add3A_5, %broadcast_in_dim3A_774], %gather3A_786 : memref<32x512xf32, #tpu.memory_space<vmem>>[vector<16xi32>, vector<16xi32>], vector<16xf32>,
      %add3A_787 = arith.constant 1 : i32
      %add3A_788 = arith.addi %add3A_329, %add3A_787 : i32
      %lt3A_789 = arith.constant 32 : i32
      %lt3A_790 = arith.cmpi slt, %add3A_788, %lt3A_789 : i32
      %convert_element_type3A_791 = arith.extui %lt3A_790 : i1 to i32
      %cond3A_792 = arith.constant 0 : i32
      %cond3A_793 = arith.cmpi ne, %convert_element_type3A_791, %cond3A_792 : i32
      scf.if %cond3A_793 {
        %slice3A_1004 = vector.extract_strided_slice %get3A_338 {offsets = [10], sizes = [1], strides = [1]} : vector<16xi32> to vector<1xi32>
        %squeeze3A_1005 = vector.extract %slice3A_1004[0] : i32 from vector<1xi32>
        %shift_right_arithmetic3A_1006 = arith.constant 7 : i32
        %shift_right_arithmetic3A_1007 = arith.shrsi %squeeze3A_1005, %shift_right_arithmetic3A_1006 : i32
        %shift_left3A_1008 = arith.constant 7 : i32
        %shift_left3A_1009 = arith.shli %shift_right_arithmetic3A_1007, %shift_left3A_1008 : i32
        %multiple_of3A_1010 = tpu.assume_multiple %shift_left3A_1009, 128 : i32
        %dma_start3A_1011 = arith.constant 10 : i32
        %dma_start3A_1012 = arith.constant 0 : i32
        %dma_start3A_1013 = arith.constant 0 : i32
        %dma_start3A_1014 = tpu.memref_slice %arg6[%dma_start3A_1011, %dma_start3A_1012, %dma_start3A_1013] : memref<16x32x128xf32, #tpu.memory_space<vmem>> -> memref<1x32x128xf32, #tpu.memory_space<vmem>>
        %dma_start3A_1015 = tpu.memref_squeeze %dma_start3A_1014 : memref<1x32x128xf32, #tpu.memory_space<vmem>> -> memref<32x128xf32, #tpu.memory_space<vmem>>
        %dma_start3A_1016 = arith.constant 0 : i32
        %dma_start3A_1017 = tpu.memref_slice %arg2[%dma_start3A_1016, %multiple_of3A_1010] : memref<32x1000000xf32, #tpu.memory_space<hbm>> -> memref<32x128xf32, #tpu.memory_space<hbm>>
        %dma_start3A_1018 = arith.constant 0 : i32
        %dma_start3A_1019 = arith.constant 0 : i32
        %dma_start3A_1020 = tpu.memref_slice %arg6[%dma_start3A_1011, %dma_start3A_1018, %dma_start3A_1019] : memref<16x32x128xf32, #tpu.memory_space<vmem>> -> memref<1x32x128xf32, #tpu.memory_space<vmem>>
        %dma_start3A_1021 = tpu.memref_squeeze %dma_start3A_1020 : memref<1x32x128xf32, #tpu.memory_space<vmem>> -> memref<32x128xf32, #tpu.memory_space<vmem>>
        %dma_start3A_1022 = arith.constant 0 : i32
        %dma_start3A_1023 = tpu.memref_slice %arg2[%dma_start3A_1022, %multiple_of3A_1010] : memref<32x1000000xf32, #tpu.memory_space<hbm>> -> memref<32x128xf32, #tpu.memory_space<hbm>>
        tpu.enqueue_dma source(%dma_start3A_1023 : memref<32x128xf32, #tpu.memory_space<hbm>>) target(%dma_start3A_1021 : memref<32x128xf32, #tpu.memory_space<vmem>>) target_semaphore(%arg18 : memref<!tpu.dma_semaphore, #tpu.memory_space<semaphore_mem>>)
      } else {
      }
      %dma_wait3A_794 = arith.constant 11 : i32
      %dma_wait3A_795 = arith.constant 0 : i32
      %dma_wait3A_796 = arith.constant 0 : i32
      %dma_wait3A_797 = tpu.memref_slice %arg6[%dma_wait3A_794, %dma_wait3A_795, %dma_wait3A_796] : memref<16x32x128xf32, #tpu.memory_space<vmem>> -> memref<1x32x128xf32, #tpu.memory_space<vmem>>
      %dma_wait3A_798 = tpu.memref_squeeze %dma_wait3A_797 : memref<1x32x128xf32, #tpu.memory_space<vmem>> -> memref<32x128xf32, #tpu.memory_space<vmem>>
      %dma_wait3A_799 = arith.constant 0 : i32
      %dma_wait3A_800 = arith.constant 0 : i32
      %dma_wait3A_801 = tpu.memref_slice %arg2[%dma_wait3A_799, %dma_wait3A_800] : memref<32x1000000xf32, #tpu.memory_space<hbm>> -> memref<32x128xf32, #tpu.memory_space<hbm>>
      %dma_wait3A_802 = arith.constant 0 : i32
      %dma_wait3A_803 = arith.constant 0 : i32
      %dma_wait3A_804 = tpu.memref_slice %arg6[%dma_wait3A_794, %dma_wait3A_802, %dma_wait3A_803] : memref<16x32x128xf32, #tpu.memory_space<vmem>> -> memref<1x32x128xf32, #tpu.memory_space<vmem>>
      %dma_wait3A_805 = tpu.memref_squeeze %dma_wait3A_804 : memref<1x32x128xf32, #tpu.memory_space<vmem>> -> memref<32x128xf32, #tpu.memory_space<vmem>>
      %dma_wait3A_806 = arith.constant 0 : i32
      %dma_wait3A_807 = arith.constant 0 : i32
      %dma_wait3A_808 = tpu.memref_slice %arg2[%dma_wait3A_806, %dma_wait3A_807] : memref<32x1000000xf32, #tpu.memory_space<hbm>> -> memref<32x128xf32, #tpu.memory_space<hbm>>
      tpu.wait_dma2 semaphore(%arg19 : memref<!tpu.dma_semaphore, #tpu.memory_space<semaphore_mem>>) src(%dma_wait3A_808 : memref<32x128xf32, #tpu.memory_space<hbm>>) dst(%dma_wait3A_805 : memref<32x128xf32, #tpu.memory_space<vmem>>)
      %slice3A_809 = vector.extract_strided_slice %get3A_333 {offsets = [11], sizes = [1], strides = [1]} : vector<16xi32> to vector<1xi32>
      %squeeze3A_810 = vector.extract %slice3A_809[0] : i32 from vector<1xi32>
      %add3A_811 = arith.constant 11 : i32
      %add3A_812 = arith.addi %mul3A_331, %add3A_811 : i32
      %and3A_813 = arith.constant 127 : i32
      %and3A_814 = arith.andi %squeeze3A_810, %and3A_813 : i32
      %broadcast_in_dim3A_815 = vector.broadcast %and3A_814 : i32 to vector<16xi32>
      %broadcast_in_dim3A_816 = vector.broadcast %add3A_812 : i32 to vector<16xi32>
      %gather3A_817 = arith.constant 11 : i32
      %gather3A_818 = arith.constant 0 : i32
      %gather3A_819 = arith.constant 0 : i32
      %gather3A_820 = tpu.memref_slice %arg6[%gather3A_817, %gather3A_818, %gather3A_819] : memref<16x32x128xf32, #tpu.memory_space<vmem>> -> memref<1x32x128xf32, #tpu.memory_space<vmem>>
      %gather3A_821 = tpu.memref_squeeze %gather3A_820 : memref<1x32x128xf32, #tpu.memory_space<vmem>> -> memref<32x128xf32, #tpu.memory_space<vmem>>
      %gather3A_822 = tpu.vector_load_idx %gather3A_821[%iota3A, %broadcast_in_dim3A_815] : memref<32x128xf32, #tpu.memory_space<vmem>>[vector<16xi32>, vector<16xi32>], vector<16xf32>,
      %gather3A_823 = arith.constant 11 : i32
      %gather3A_824 = arith.constant 0 : i32
      %gather3A_825 = arith.constant 0 : i32
      %gather3A_826 = tpu.memref_slice %arg6[%gather3A_823, %gather3A_824, %gather3A_825] : memref<16x32x128xf32, #tpu.memory_space<vmem>> -> memref<1x32x128xf32, #tpu.memory_space<vmem>>
      %gather3A_827 = tpu.memref_squeeze %gather3A_826 : memref<1x32x128xf32, #tpu.memory_space<vmem>> -> memref<32x128xf32, #tpu.memory_space<vmem>>
      %gather3A_828 = tpu.vector_load_idx %gather3A_827[%add3A_5, %broadcast_in_dim3A_815] : memref<32x128xf32, #tpu.memory_space<vmem>>[vector<16xi32>, vector<16xi32>], vector<16xf32>,
      tpu.vector_store_idx %arg7[%iota3A, %broadcast_in_dim3A_816], %gather3A_822 : memref<32x512xf32, #tpu.memory_space<vmem>>[vector<16xi32>, vector<16xi32>], vector<16xf32>,
      tpu.vector_store_idx %arg7[%add3A_5, %broadcast_in_dim3A_816], %gather3A_828 : memref<32x512xf32, #tpu.memory_space<vmem>>[vector<16xi32>, vector<16xi32>], vector<16xf32>,
      %add3A_829 = arith.constant 1 : i32
      %add3A_830 = arith.addi %add3A_329, %add3A_829 : i32
      %lt3A_831 = arith.constant 32 : i32
      %lt3A_832 = arith.cmpi slt, %add3A_830, %lt3A_831 : i32
      %convert_element_type3A_833 = arith.extui %lt3A_832 : i1 to i32
      %cond3A_834 = arith.constant 0 : i32
      %cond3A_835 = arith.cmpi ne, %convert_element_type3A_833, %cond3A_834 : i32
      scf.if %cond3A_835 {
        %slice3A_1004 = vector.extract_strided_slice %get3A_338 {offsets = [11], sizes = [1], strides = [1]} : vector<16xi32> to vector<1xi32>
        %squeeze3A_1005 = vector.extract %slice3A_1004[0] : i32 from vector<1xi32>
        %shift_right_arithmetic3A_1006 = arith.constant 7 : i32
        %shift_right_arithmetic3A_1007 = arith.shrsi %squeeze3A_1005, %shift_right_arithmetic3A_1006 : i32
        %shift_left3A_1008 = arith.constant 7 : i32
        %shift_left3A_1009 = arith.shli %shift_right_arithmetic3A_1007, %shift_left3A_1008 : i32
        %multiple_of3A_1010 = tpu.assume_multiple %shift_left3A_1009, 128 : i32
        %dma_start3A_1011 = arith.constant 11 : i32
        %dma_start3A_1012 = arith.constant 0 : i32
        %dma_start3A_1013 = arith.constant 0 : i32
        %dma_start3A_1014 = tpu.memref_slice %arg6[%dma_start3A_1011, %dma_start3A_1012, %dma_start3A_1013] : memref<16x32x128xf32, #tpu.memory_space<vmem>> -> memref<1x32x128xf32, #tpu.memory_space<vmem>>
        %dma_start3A_1015 = tpu.memref_squeeze %dma_start3A_1014 : memref<1x32x128xf32, #tpu.memory_space<vmem>> -> memref<32x128xf32, #tpu.memory_space<vmem>>
        %dma_start3A_1016 = arith.constant 0 : i32
        %dma_start3A_1017 = tpu.memref_slice %arg2[%dma_start3A_1016, %multiple_of3A_1010] : memref<32x1000000xf32, #tpu.memory_space<hbm>> -> memref<32x128xf32, #tpu.memory_space<hbm>>
        %dma_start3A_1018 = arith.constant 0 : i32
        %dma_start3A_1019 = arith.constant 0 : i32
        %dma_start3A_1020 = tpu.memref_slice %arg6[%dma_start3A_1011, %dma_start3A_1018, %dma_start3A_1019] : memref<16x32x128xf32, #tpu.memory_space<vmem>> -> memref<1x32x128xf32, #tpu.memory_space<vmem>>
        %dma_start3A_1021 = tpu.memref_squeeze %dma_start3A_1020 : memref<1x32x128xf32, #tpu.memory_space<vmem>> -> memref<32x128xf32, #tpu.memory_space<vmem>>
        %dma_start3A_1022 = arith.constant 0 : i32
        %dma_start3A_1023 = tpu.memref_slice %arg2[%dma_start3A_1022, %multiple_of3A_1010] : memref<32x1000000xf32, #tpu.memory_space<hbm>> -> memref<32x128xf32, #tpu.memory_space<hbm>>
        tpu.enqueue_dma source(%dma_start3A_1023 : memref<32x128xf32, #tpu.memory_space<hbm>>) target(%dma_start3A_1021 : memref<32x128xf32, #tpu.memory_space<vmem>>) target_semaphore(%arg19 : memref<!tpu.dma_semaphore, #tpu.memory_space<semaphore_mem>>)
      } else {
      }
      %dma_wait3A_836 = arith.constant 12 : i32
      %dma_wait3A_837 = arith.constant 0 : i32
      %dma_wait3A_838 = arith.constant 0 : i32
      %dma_wait3A_839 = tpu.memref_slice %arg6[%dma_wait3A_836, %dma_wait3A_837, %dma_wait3A_838] : memref<16x32x128xf32, #tpu.memory_space<vmem>> -> memref<1x32x128xf32, #tpu.memory_space<vmem>>
      %dma_wait3A_840 = tpu.memref_squeeze %dma_wait3A_839 : memref<1x32x128xf32, #tpu.memory_space<vmem>> -> memref<32x128xf32, #tpu.memory_space<vmem>>
      %dma_wait3A_841 = arith.constant 0 : i32
      %dma_wait3A_842 = arith.constant 0 : i32
      %dma_wait3A_843 = tpu.memref_slice %arg2[%dma_wait3A_841, %dma_wait3A_842] : memref<32x1000000xf32, #tpu.memory_space<hbm>> -> memref<32x128xf32, #tpu.memory_space<hbm>>
      %dma_wait3A_844 = arith.constant 0 : i32
      %dma_wait3A_845 = arith.constant 0 : i32
      %dma_wait3A_846 = tpu.memref_slice %arg6[%dma_wait3A_836, %dma_wait3A_844, %dma_wait3A_845] : memref<16x32x128xf32, #tpu.memory_space<vmem>> -> memref<1x32x128xf32, #tpu.memory_space<vmem>>
      %dma_wait3A_847 = tpu.memref_squeeze %dma_wait3A_846 : memref<1x32x128xf32, #tpu.memory_space<vmem>> -> memref<32x128xf32, #tpu.memory_space<vmem>>
      %dma_wait3A_848 = arith.constant 0 : i32
      %dma_wait3A_849 = arith.constant 0 : i32
      %dma_wait3A_850 = tpu.memref_slice %arg2[%dma_wait3A_848, %dma_wait3A_849] : memref<32x1000000xf32, #tpu.memory_space<hbm>> -> memref<32x128xf32, #tpu.memory_space<hbm>>
      tpu.wait_dma2 semaphore(%arg20 : memref<!tpu.dma_semaphore, #tpu.memory_space<semaphore_mem>>) src(%dma_wait3A_850 : memref<32x128xf32, #tpu.memory_space<hbm>>) dst(%dma_wait3A_847 : memref<32x128xf32, #tpu.memory_space<vmem>>)
      %slice3A_851 = vector.extract_strided_slice %get3A_333 {offsets = [12], sizes = [1], strides = [1]} : vector<16xi32> to vector<1xi32>
      %squeeze3A_852 = vector.extract %slice3A_851[0] : i32 from vector<1xi32>
      %add3A_853 = arith.constant 12 : i32
      %add3A_854 = arith.addi %mul3A_331, %add3A_853 : i32
      %and3A_855 = arith.constant 127 : i32
      %and3A_856 = arith.andi %squeeze3A_852, %and3A_855 : i32
      %broadcast_in_dim3A_857 = vector.broadcast %and3A_856 : i32 to vector<16xi32>
      %broadcast_in_dim3A_858 = vector.broadcast %add3A_854 : i32 to vector<16xi32>
      %gather3A_859 = arith.constant 12 : i32
      %gather3A_860 = arith.constant 0 : i32
      %gather3A_861 = arith.constant 0 : i32
      %gather3A_862 = tpu.memref_slice %arg6[%gather3A_859, %gather3A_860, %gather3A_861] : memref<16x32x128xf32, #tpu.memory_space<vmem>> -> memref<1x32x128xf32, #tpu.memory_space<vmem>>
      %gather3A_863 = tpu.memref_squeeze %gather3A_862 : memref<1x32x128xf32, #tpu.memory_space<vmem>> -> memref<32x128xf32, #tpu.memory_space<vmem>>
      %gather3A_864 = tpu.vector_load_idx %gather3A_863[%iota3A, %broadcast_in_dim3A_857] : memref<32x128xf32, #tpu.memory_space<vmem>>[vector<16xi32>, vector<16xi32>], vector<16xf32>,
      %gather3A_865 = arith.constant 12 : i32
      %gather3A_866 = arith.constant 0 : i32
      %gather3A_867 = arith.constant 0 : i32
      %gather3A_868 = tpu.memref_slice %arg6[%gather3A_865, %gather3A_866, %gather3A_867] : memref<16x32x128xf32, #tpu.memory_space<vmem>> -> memref<1x32x128xf32, #tpu.memory_space<vmem>>
      %gather3A_869 = tpu.memref_squeeze %gather3A_868 : memref<1x32x128xf32, #tpu.memory_space<vmem>> -> memref<32x128xf32, #tpu.memory_space<vmem>>
      %gather3A_870 = tpu.vector_load_idx %gather3A_869[%add3A_5, %broadcast_in_dim3A_857] : memref<32x128xf32, #tpu.memory_space<vmem>>[vector<16xi32>, vector<16xi32>], vector<16xf32>,
      tpu.vector_store_idx %arg7[%iota3A, %broadcast_in_dim3A_858], %gather3A_864 : memref<32x512xf32, #tpu.memory_space<vmem>>[vector<16xi32>, vector<16xi32>], vector<16xf32>,
      tpu.vector_store_idx %arg7[%add3A_5, %broadcast_in_dim3A_858], %gather3A_870 : memref<32x512xf32, #tpu.memory_space<vmem>>[vector<16xi32>, vector<16xi32>], vector<16xf32>,
      %add3A_871 = arith.constant 1 : i32
      %add3A_872 = arith.addi %add3A_329, %add3A_871 : i32
      %lt3A_873 = arith.constant 32 : i32
      %lt3A_874 = arith.cmpi slt, %add3A_872, %lt3A_873 : i32
      %convert_element_type3A_875 = arith.extui %lt3A_874 : i1 to i32
      %cond3A_876 = arith.constant 0 : i32
      %cond3A_877 = arith.cmpi ne, %convert_element_type3A_875, %cond3A_876 : i32
      scf.if %cond3A_877 {
        %slice3A_1004 = vector.extract_strided_slice %get3A_338 {offsets = [12], sizes = [1], strides = [1]} : vector<16xi32> to vector<1xi32>
        %squeeze3A_1005 = vector.extract %slice3A_1004[0] : i32 from vector<1xi32>
        %shift_right_arithmetic3A_1006 = arith.constant 7 : i32
        %shift_right_arithmetic3A_1007 = arith.shrsi %squeeze3A_1005, %shift_right_arithmetic3A_1006 : i32
        %shift_left3A_1008 = arith.constant 7 : i32
        %shift_left3A_1009 = arith.shli %shift_right_arithmetic3A_1007, %shift_left3A_1008 : i32
        %multiple_of3A_1010 = tpu.assume_multiple %shift_left3A_1009, 128 : i32
        %dma_start3A_1011 = arith.constant 12 : i32
        %dma_start3A_1012 = arith.constant 0 : i32
        %dma_start3A_1013 = arith.constant 0 : i32
        %dma_start3A_1014 = tpu.memref_slice %arg6[%dma_start3A_1011, %dma_start3A_1012, %dma_start3A_1013] : memref<16x32x128xf32, #tpu.memory_space<vmem>> -> memref<1x32x128xf32, #tpu.memory_space<vmem>>
        %dma_start3A_1015 = tpu.memref_squeeze %dma_start3A_1014 : memref<1x32x128xf32, #tpu.memory_space<vmem>> -> memref<32x128xf32, #tpu.memory_space<vmem>>
        %dma_start3A_1016 = arith.constant 0 : i32
        %dma_start3A_1017 = tpu.memref_slice %arg2[%dma_start3A_1016, %multiple_of3A_1010] : memref<32x1000000xf32, #tpu.memory_space<hbm>> -> memref<32x128xf32, #tpu.memory_space<hbm>>
        %dma_start3A_1018 = arith.constant 0 : i32
        %dma_start3A_1019 = arith.constant 0 : i32
        %dma_start3A_1020 = tpu.memref_slice %arg6[%dma_start3A_1011, %dma_start3A_1018, %dma_start3A_1019] : memref<16x32x128xf32, #tpu.memory_space<vmem>> -> memref<1x32x128xf32, #tpu.memory_space<vmem>>
        %dma_start3A_1021 = tpu.memref_squeeze %dma_start3A_1020 : memref<1x32x128xf32, #tpu.memory_space<vmem>> -> memref<32x128xf32, #tpu.memory_space<vmem>>
        %dma_start3A_1022 = arith.constant 0 : i32
        %dma_start3A_1023 = tpu.memref_slice %arg2[%dma_start3A_1022, %multiple_of3A_1010] : memref<32x1000000xf32, #tpu.memory_space<hbm>> -> memref<32x128xf32, #tpu.memory_space<hbm>>
        tpu.enqueue_dma source(%dma_start3A_1023 : memref<32x128xf32, #tpu.memory_space<hbm>>) target(%dma_start3A_1021 : memref<32x128xf32, #tpu.memory_space<vmem>>) target_semaphore(%arg20 : memref<!tpu.dma_semaphore, #tpu.memory_space<semaphore_mem>>)
      } else {
      }
      %dma_wait3A_878 = arith.constant 13 : i32
      %dma_wait3A_879 = arith.constant 0 : i32
      %dma_wait3A_880 = arith.constant 0 : i32
      %dma_wait3A_881 = tpu.memref_slice %arg6[%dma_wait3A_878, %dma_wait3A_879, %dma_wait3A_880] : memref<16x32x128xf32, #tpu.memory_space<vmem>> -> memref<1x32x128xf32, #tpu.memory_space<vmem>>
      %dma_wait3A_882 = tpu.memref_squeeze %dma_wait3A_881 : memref<1x32x128xf32, #tpu.memory_space<vmem>> -> memref<32x128xf32, #tpu.memory_space<vmem>>
      %dma_wait3A_883 = arith.constant 0 : i32
      %dma_wait3A_884 = arith.constant 0 : i32
      %dma_wait3A_885 = tpu.memref_slice %arg2[%dma_wait3A_883, %dma_wait3A_884] : memref<32x1000000xf32, #tpu.memory_space<hbm>> -> memref<32x128xf32, #tpu.memory_space<hbm>>
      %dma_wait3A_886 = arith.constant 0 : i32
      %dma_wait3A_887 = arith.constant 0 : i32
      %dma_wait3A_888 = tpu.memref_slice %arg6[%dma_wait3A_878, %dma_wait3A_886, %dma_wait3A_887] : memref<16x32x128xf32, #tpu.memory_space<vmem>> -> memref<1x32x128xf32, #tpu.memory_space<vmem>>
      %dma_wait3A_889 = tpu.memref_squeeze %dma_wait3A_888 : memref<1x32x128xf32, #tpu.memory_space<vmem>> -> memref<32x128xf32, #tpu.memory_space<vmem>>
      %dma_wait3A_890 = arith.constant 0 : i32
      %dma_wait3A_891 = arith.constant 0 : i32
      %dma_wait3A_892 = tpu.memref_slice %arg2[%dma_wait3A_890, %dma_wait3A_891] : memref<32x1000000xf32, #tpu.memory_space<hbm>> -> memref<32x128xf32, #tpu.memory_space<hbm>>
      tpu.wait_dma2 semaphore(%arg21 : memref<!tpu.dma_semaphore, #tpu.memory_space<semaphore_mem>>) src(%dma_wait3A_892 : memref<32x128xf32, #tpu.memory_space<hbm>>) dst(%dma_wait3A_889 : memref<32x128xf32, #tpu.memory_space<vmem>>)
      %slice3A_893 = vector.extract_strided_slice %get3A_333 {offsets = [13], sizes = [1], strides = [1]} : vector<16xi32> to vector<1xi32>
      %squeeze3A_894 = vector.extract %slice3A_893[0] : i32 from vector<1xi32>
      %add3A_895 = arith.constant 13 : i32
      %add3A_896 = arith.addi %mul3A_331, %add3A_895 : i32
      %and3A_897 = arith.constant 127 : i32
      %and3A_898 = arith.andi %squeeze3A_894, %and3A_897 : i32
      %broadcast_in_dim3A_899 = vector.broadcast %and3A_898 : i32 to vector<16xi32>
      %broadcast_in_dim3A_900 = vector.broadcast %add3A_896 : i32 to vector<16xi32>
      %gather3A_901 = arith.constant 13 : i32
      %gather3A_902 = arith.constant 0 : i32
      %gather3A_903 = arith.constant 0 : i32
      %gather3A_904 = tpu.memref_slice %arg6[%gather3A_901, %gather3A_902, %gather3A_903] : memref<16x32x128xf32, #tpu.memory_space<vmem>> -> memref<1x32x128xf32, #tpu.memory_space<vmem>>
      %gather3A_905 = tpu.memref_squeeze %gather3A_904 : memref<1x32x128xf32, #tpu.memory_space<vmem>> -> memref<32x128xf32, #tpu.memory_space<vmem>>
      %gather3A_906 = tpu.vector_load_idx %gather3A_905[%iota3A, %broadcast_in_dim3A_899] : memref<32x128xf32, #tpu.memory_space<vmem>>[vector<16xi32>, vector<16xi32>], vector<16xf32>,
      %gather3A_907 = arith.constant 13 : i32
      %gather3A_908 = arith.constant 0 : i32
      %gather3A_909 = arith.constant 0 : i32
      %gather3A_910 = tpu.memref_slice %arg6[%gather3A_907, %gather3A_908, %gather3A_909] : memref<16x32x128xf32, #tpu.memory_space<vmem>> -> memref<1x32x128xf32, #tpu.memory_space<vmem>>
      %gather3A_911 = tpu.memref_squeeze %gather3A_910 : memref<1x32x128xf32, #tpu.memory_space<vmem>> -> memref<32x128xf32, #tpu.memory_space<vmem>>
      %gather3A_912 = tpu.vector_load_idx %gather3A_911[%add3A_5, %broadcast_in_dim3A_899] : memref<32x128xf32, #tpu.memory_space<vmem>>[vector<16xi32>, vector<16xi32>], vector<16xf32>,
      tpu.vector_store_idx %arg7[%iota3A, %broadcast_in_dim3A_900], %gather3A_906 : memref<32x512xf32, #tpu.memory_space<vmem>>[vector<16xi32>, vector<16xi32>], vector<16xf32>,
      tpu.vector_store_idx %arg7[%add3A_5, %broadcast_in_dim3A_900], %gather3A_912 : memref<32x512xf32, #tpu.memory_space<vmem>>[vector<16xi32>, vector<16xi32>], vector<16xf32>,
      %add3A_913 = arith.constant 1 : i32
      %add3A_914 = arith.addi %add3A_329, %add3A_913 : i32
      %lt3A_915 = arith.constant 32 : i32
      %lt3A_916 = arith.cmpi slt, %add3A_914, %lt3A_915 : i32
      %convert_element_type3A_917 = arith.extui %lt3A_916 : i1 to i32
      %cond3A_918 = arith.constant 0 : i32
      %cond3A_919 = arith.cmpi ne, %convert_element_type3A_917, %cond3A_918 : i32
      scf.if %cond3A_919 {
        %slice3A_1004 = vector.extract_strided_slice %get3A_338 {offsets = [13], sizes = [1], strides = [1]} : vector<16xi32> to vector<1xi32>
        %squeeze3A_1005 = vector.extract %slice3A_1004[0] : i32 from vector<1xi32>
        %shift_right_arithmetic3A_1006 = arith.constant 7 : i32
        %shift_right_arithmetic3A_1007 = arith.shrsi %squeeze3A_1005, %shift_right_arithmetic3A_1006 : i32
        %shift_left3A_1008 = arith.constant 7 : i32
        %shift_left3A_1009 = arith.shli %shift_right_arithmetic3A_1007, %shift_left3A_1008 : i32
        %multiple_of3A_1010 = tpu.assume_multiple %shift_left3A_1009, 128 : i32
        %dma_start3A_1011 = arith.constant 13 : i32
        %dma_start3A_1012 = arith.constant 0 : i32
        %dma_start3A_1013 = arith.constant 0 : i32
        %dma_start3A_1014 = tpu.memref_slice %arg6[%dma_start3A_1011, %dma_start3A_1012, %dma_start3A_1013] : memref<16x32x128xf32, #tpu.memory_space<vmem>> -> memref<1x32x128xf32, #tpu.memory_space<vmem>>
        %dma_start3A_1015 = tpu.memref_squeeze %dma_start3A_1014 : memref<1x32x128xf32, #tpu.memory_space<vmem>> -> memref<32x128xf32, #tpu.memory_space<vmem>>
        %dma_start3A_1016 = arith.constant 0 : i32
        %dma_start3A_1017 = tpu.memref_slice %arg2[%dma_start3A_1016, %multiple_of3A_1010] : memref<32x1000000xf32, #tpu.memory_space<hbm>> -> memref<32x128xf32, #tpu.memory_space<hbm>>
        %dma_start3A_1018 = arith.constant 0 : i32
        %dma_start3A_1019 = arith.constant 0 : i32
        %dma_start3A_1020 = tpu.memref_slice %arg6[%dma_start3A_1011, %dma_start3A_1018, %dma_start3A_1019] : memref<16x32x128xf32, #tpu.memory_space<vmem>> -> memref<1x32x128xf32, #tpu.memory_space<vmem>>
        %dma_start3A_1021 = tpu.memref_squeeze %dma_start3A_1020 : memref<1x32x128xf32, #tpu.memory_space<vmem>> -> memref<32x128xf32, #tpu.memory_space<vmem>>
        %dma_start3A_1022 = arith.constant 0 : i32
        %dma_start3A_1023 = tpu.memref_slice %arg2[%dma_start3A_1022, %multiple_of3A_1010] : memref<32x1000000xf32, #tpu.memory_space<hbm>> -> memref<32x128xf32, #tpu.memory_space<hbm>>
        tpu.enqueue_dma source(%dma_start3A_1023 : memref<32x128xf32, #tpu.memory_space<hbm>>) target(%dma_start3A_1021 : memref<32x128xf32, #tpu.memory_space<vmem>>) target_semaphore(%arg21 : memref<!tpu.dma_semaphore, #tpu.memory_space<semaphore_mem>>)
      } else {
      }
      %dma_wait3A_920 = arith.constant 14 : i32
      %dma_wait3A_921 = arith.constant 0 : i32
      %dma_wait3A_922 = arith.constant 0 : i32
      %dma_wait3A_923 = tpu.memref_slice %arg6[%dma_wait3A_920, %dma_wait3A_921, %dma_wait3A_922] : memref<16x32x128xf32, #tpu.memory_space<vmem>> -> memref<1x32x128xf32, #tpu.memory_space<vmem>>
      %dma_wait3A_924 = tpu.memref_squeeze %dma_wait3A_923 : memref<1x32x128xf32, #tpu.memory_space<vmem>> -> memref<32x128xf32, #tpu.memory_space<vmem>>
      %dma_wait3A_925 = arith.constant 0 : i32
      %dma_wait3A_926 = arith.constant 0 : i32
      %dma_wait3A_927 = tpu.memref_slice %arg2[%dma_wait3A_925, %dma_wait3A_926] : memref<32x1000000xf32, #tpu.memory_space<hbm>> -> memref<32x128xf32, #tpu.memory_space<hbm>>
      %dma_wait3A_928 = arith.constant 0 : i32
      %dma_wait3A_929 = arith.constant 0 : i32
      %dma_wait3A_930 = tpu.memref_slice %arg6[%dma_wait3A_920, %dma_wait3A_928, %dma_wait3A_929] : memref<16x32x128xf32, #tpu.memory_space<vmem>> -> memref<1x32x128xf32, #tpu.memory_space<vmem>>
      %dma_wait3A_931 = tpu.memref_squeeze %dma_wait3A_930 : memref<1x32x128xf32, #tpu.memory_space<vmem>> -> memref<32x128xf32, #tpu.memory_space<vmem>>
      %dma_wait3A_932 = arith.constant 0 : i32
      %dma_wait3A_933 = arith.constant 0 : i32
      %dma_wait3A_934 = tpu.memref_slice %arg2[%dma_wait3A_932, %dma_wait3A_933] : memref<32x1000000xf32, #tpu.memory_space<hbm>> -> memref<32x128xf32, #tpu.memory_space<hbm>>
      tpu.wait_dma2 semaphore(%arg22 : memref<!tpu.dma_semaphore, #tpu.memory_space<semaphore_mem>>) src(%dma_wait3A_934 : memref<32x128xf32, #tpu.memory_space<hbm>>) dst(%dma_wait3A_931 : memref<32x128xf32, #tpu.memory_space<vmem>>)
      %slice3A_935 = vector.extract_strided_slice %get3A_333 {offsets = [14], sizes = [1], strides = [1]} : vector<16xi32> to vector<1xi32>
      %squeeze3A_936 = vector.extract %slice3A_935[0] : i32 from vector<1xi32>
      %add3A_937 = arith.constant 14 : i32
      %add3A_938 = arith.addi %mul3A_331, %add3A_937 : i32
      %and3A_939 = arith.constant 127 : i32
      %and3A_940 = arith.andi %squeeze3A_936, %and3A_939 : i32
      %broadcast_in_dim3A_941 = vector.broadcast %and3A_940 : i32 to vector<16xi32>
      %broadcast_in_dim3A_942 = vector.broadcast %add3A_938 : i32 to vector<16xi32>
      %gather3A_943 = arith.constant 14 : i32
      %gather3A_944 = arith.constant 0 : i32
      %gather3A_945 = arith.constant 0 : i32
      %gather3A_946 = tpu.memref_slice %arg6[%gather3A_943, %gather3A_944, %gather3A_945] : memref<16x32x128xf32, #tpu.memory_space<vmem>> -> memref<1x32x128xf32, #tpu.memory_space<vmem>>
      %gather3A_947 = tpu.memref_squeeze %gather3A_946 : memref<1x32x128xf32, #tpu.memory_space<vmem>> -> memref<32x128xf32, #tpu.memory_space<vmem>>
      %gather3A_948 = tpu.vector_load_idx %gather3A_947[%iota3A, %broadcast_in_dim3A_941] : memref<32x128xf32, #tpu.memory_space<vmem>>[vector<16xi32>, vector<16xi32>], vector<16xf32>,
      %gather3A_949 = arith.constant 14 : i32
      %gather3A_950 = arith.constant 0 : i32
      %gather3A_951 = arith.constant 0 : i32
      %gather3A_952 = tpu.memref_slice %arg6[%gather3A_949, %gather3A_950, %gather3A_951] : memref<16x32x128xf32, #tpu.memory_space<vmem>> -> memref<1x32x128xf32, #tpu.memory_space<vmem>>
      %gather3A_953 = tpu.memref_squeeze %gather3A_952 : memref<1x32x128xf32, #tpu.memory_space<vmem>> -> memref<32x128xf32, #tpu.memory_space<vmem>>
      %gather3A_954 = tpu.vector_load_idx %gather3A_953[%add3A_5, %broadcast_in_dim3A_941] : memref<32x128xf32, #tpu.memory_space<vmem>>[vector<16xi32>, vector<16xi32>], vector<16xf32>,
      tpu.vector_store_idx %arg7[%iota3A, %broadcast_in_dim3A_942], %gather3A_948 : memref<32x512xf32, #tpu.memory_space<vmem>>[vector<16xi32>, vector<16xi32>], vector<16xf32>,
      tpu.vector_store_idx %arg7[%add3A_5, %broadcast_in_dim3A_942], %gather3A_954 : memref<32x512xf32, #tpu.memory_space<vmem>>[vector<16xi32>, vector<16xi32>], vector<16xf32>,
      %add3A_955 = arith.constant 1 : i32
      %add3A_956 = arith.addi %add3A_329, %add3A_955 : i32
      %lt3A_957 = arith.constant 32 : i32
      %lt3A_958 = arith.cmpi slt, %add3A_956, %lt3A_957 : i32
      %convert_element_type3A_959 = arith.extui %lt3A_958 : i1 to i32
      %cond3A_960 = arith.constant 0 : i32
      %cond3A_961 = arith.cmpi ne, %convert_element_type3A_959, %cond3A_960 : i32
      scf.if %cond3A_961 {
        %slice3A_1004 = vector.extract_strided_slice %get3A_338 {offsets = [14], sizes = [1], strides = [1]} : vector<16xi32> to vector<1xi32>
        %squeeze3A_1005 = vector.extract %slice3A_1004[0] : i32 from vector<1xi32>
        %shift_right_arithmetic3A_1006 = arith.constant 7 : i32
        %shift_right_arithmetic3A_1007 = arith.shrsi %squeeze3A_1005, %shift_right_arithmetic3A_1006 : i32
        %shift_left3A_1008 = arith.constant 7 : i32
        %shift_left3A_1009 = arith.shli %shift_right_arithmetic3A_1007, %shift_left3A_1008 : i32
        %multiple_of3A_1010 = tpu.assume_multiple %shift_left3A_1009, 128 : i32
        %dma_start3A_1011 = arith.constant 14 : i32
        %dma_start3A_1012 = arith.constant 0 : i32
        %dma_start3A_1013 = arith.constant 0 : i32
        %dma_start3A_1014 = tpu.memref_slice %arg6[%dma_start3A_1011, %dma_start3A_1012, %dma_start3A_1013] : memref<16x32x128xf32, #tpu.memory_space<vmem>> -> memref<1x32x128xf32, #tpu.memory_space<vmem>>
        %dma_start3A_1015 = tpu.memref_squeeze %dma_start3A_1014 : memref<1x32x128xf32, #tpu.memory_space<vmem>> -> memref<32x128xf32, #tpu.memory_space<vmem>>
        %dma_start3A_1016 = arith.constant 0 : i32
        %dma_start3A_1017 = tpu.memref_slice %arg2[%dma_start3A_1016, %multiple_of3A_1010] : memref<32x1000000xf32, #tpu.memory_space<hbm>> -> memref<32x128xf32, #tpu.memory_space<hbm>>
        %dma_start3A_1018 = arith.constant 0 : i32
        %dma_start3A_1019 = arith.constant 0 : i32
        %dma_start3A_1020 = tpu.memref_slice %arg6[%dma_start3A_1011, %dma_start3A_1018, %dma_start3A_1019] : memref<16x32x128xf32, #tpu.memory_space<vmem>> -> memref<1x32x128xf32, #tpu.memory_space<vmem>>
        %dma_start3A_1021 = tpu.memref_squeeze %dma_start3A_1020 : memref<1x32x128xf32, #tpu.memory_space<vmem>> -> memref<32x128xf32, #tpu.memory_space<vmem>>
        %dma_start3A_1022 = arith.constant 0 : i32
        %dma_start3A_1023 = tpu.memref_slice %arg2[%dma_start3A_1022, %multiple_of3A_1010] : memref<32x1000000xf32, #tpu.memory_space<hbm>> -> memref<32x128xf32, #tpu.memory_space<hbm>>
        tpu.enqueue_dma source(%dma_start3A_1023 : memref<32x128xf32, #tpu.memory_space<hbm>>) target(%dma_start3A_1021 : memref<32x128xf32, #tpu.memory_space<vmem>>) target_semaphore(%arg22 : memref<!tpu.dma_semaphore, #tpu.memory_space<semaphore_mem>>)
      } else {
      }
      %dma_wait3A_962 = arith.constant 15 : i32
      %dma_wait3A_963 = arith.constant 0 : i32
      %dma_wait3A_964 = arith.constant 0 : i32
      %dma_wait3A_965 = tpu.memref_slice %arg6[%dma_wait3A_962, %dma_wait3A_963, %dma_wait3A_964] : memref<16x32x128xf32, #tpu.memory_space<vmem>> -> memref<1x32x128xf32, #tpu.memory_space<vmem>>
      %dma_wait3A_966 = tpu.memref_squeeze %dma_wait3A_965 : memref<1x32x128xf32, #tpu.memory_space<vmem>> -> memref<32x128xf32, #tpu.memory_space<vmem>>
      %dma_wait3A_967 = arith.constant 0 : i32
      %dma_wait3A_968 = arith.constant 0 : i32
      %dma_wait3A_969 = tpu.memref_slice %arg2[%dma_wait3A_967, %dma_wait3A_968] : memref<32x1000000xf32, #tpu.memory_space<hbm>> -> memref<32x128xf32, #tpu.memory_space<hbm>>
      %dma_wait3A_970 = arith.constant 0 : i32
      %dma_wait3A_971 = arith.constant 0 : i32
      %dma_wait3A_972 = tpu.memref_slice %arg6[%dma_wait3A_962, %dma_wait3A_970, %dma_wait3A_971] : memref<16x32x128xf32, #tpu.memory_space<vmem>> -> memref<1x32x128xf32, #tpu.memory_space<vmem>>
      %dma_wait3A_973 = tpu.memref_squeeze %dma_wait3A_972 : memref<1x32x128xf32, #tpu.memory_space<vmem>> -> memref<32x128xf32, #tpu.memory_space<vmem>>
      %dma_wait3A_974 = arith.constant 0 : i32
      %dma_wait3A_975 = arith.constant 0 : i32
      %dma_wait3A_976 = tpu.memref_slice %arg2[%dma_wait3A_974, %dma_wait3A_975] : memref<32x1000000xf32, #tpu.memory_space<hbm>> -> memref<32x128xf32, #tpu.memory_space<hbm>>
      tpu.wait_dma2 semaphore(%arg23 : memref<!tpu.dma_semaphore, #tpu.memory_space<semaphore_mem>>) src(%dma_wait3A_976 : memref<32x128xf32, #tpu.memory_space<hbm>>) dst(%dma_wait3A_973 : memref<32x128xf32, #tpu.memory_space<vmem>>)
      %slice3A_977 = vector.extract_strided_slice %get3A_333 {offsets = [15], sizes = [1], strides = [1]} : vector<16xi32> to vector<1xi32>
      %squeeze3A_978 = vector.extract %slice3A_977[0] : i32 from vector<1xi32>
      %add3A_979 = arith.constant 15 : i32
      %add3A_980 = arith.addi %mul3A_331, %add3A_979 : i32
      %and3A_981 = arith.constant 127 : i32
      %and3A_982 = arith.andi %squeeze3A_978, %and3A_981 : i32
      %broadcast_in_dim3A_983 = vector.broadcast %and3A_982 : i32 to vector<16xi32>
      %broadcast_in_dim3A_984 = vector.broadcast %add3A_980 : i32 to vector<16xi32>
      %gather3A_985 = arith.constant 15 : i32
      %gather3A_986 = arith.constant 0 : i32
      %gather3A_987 = arith.constant 0 : i32
      %gather3A_988 = tpu.memref_slice %arg6[%gather3A_985, %gather3A_986, %gather3A_987] : memref<16x32x128xf32, #tpu.memory_space<vmem>> -> memref<1x32x128xf32, #tpu.memory_space<vmem>>
      %gather3A_989 = tpu.memref_squeeze %gather3A_988 : memref<1x32x128xf32, #tpu.memory_space<vmem>> -> memref<32x128xf32, #tpu.memory_space<vmem>>
      %gather3A_990 = tpu.vector_load_idx %gather3A_989[%iota3A, %broadcast_in_dim3A_983] : memref<32x128xf32, #tpu.memory_space<vmem>>[vector<16xi32>, vector<16xi32>], vector<16xf32>,
      %gather3A_991 = arith.constant 15 : i32
      %gather3A_992 = arith.constant 0 : i32
      %gather3A_993 = arith.constant 0 : i32
      %gather3A_994 = tpu.memref_slice %arg6[%gather3A_991, %gather3A_992, %gather3A_993] : memref<16x32x128xf32, #tpu.memory_space<vmem>> -> memref<1x32x128xf32, #tpu.memory_space<vmem>>
      %gather3A_995 = tpu.memref_squeeze %gather3A_994 : memref<1x32x128xf32, #tpu.memory_space<vmem>> -> memref<32x128xf32, #tpu.memory_space<vmem>>
      %gather3A_996 = tpu.vector_load_idx %gather3A_995[%add3A_5, %broadcast_in_dim3A_983] : memref<32x128xf32, #tpu.memory_space<vmem>>[vector<16xi32>, vector<16xi32>], vector<16xf32>,
      tpu.vector_store_idx %arg7[%iota3A, %broadcast_in_dim3A_984], %gather3A_990 : memref<32x512xf32, #tpu.memory_space<vmem>>[vector<16xi32>, vector<16xi32>], vector<16xf32>,
      tpu.vector_store_idx %arg7[%add3A_5, %broadcast_in_dim3A_984], %gather3A_996 : memref<32x512xf32, #tpu.memory_space<vmem>>[vector<16xi32>, vector<16xi32>], vector<16xf32>,
      %add3A_997 = arith.constant 1 : i32
      %add3A_998 = arith.addi %add3A_329, %add3A_997 : i32
      %lt3A_999 = arith.constant 32 : i32
      %lt3A_1000 = arith.cmpi slt, %add3A_998, %lt3A_999 : i32
      %convert_element_type3A_1001 = arith.extui %lt3A_1000 : i1 to i32
      %cond3A_1002 = arith.constant 0 : i32
      %cond3A_1003 = arith.cmpi ne, %convert_element_type3A_1001, %cond3A_1002 : i32
      scf.if %cond3A_1003 {
        %slice3A_1004 = vector.extract_strided_slice %get3A_338 {offsets = [15], sizes = [1], strides = [1]} : vector<16xi32> to vector<1xi32>
        %squeeze3A_1005 = vector.extract %slice3A_1004[0] : i32 from vector<1xi32>
        %shift_right_arithmetic3A_1006 = arith.constant 7 : i32
        %shift_right_arithmetic3A_1007 = arith.shrsi %squeeze3A_1005, %shift_right_arithmetic3A_1006 : i32
        %shift_left3A_1008 = arith.constant 7 : i32
        %shift_left3A_1009 = arith.shli %shift_right_arithmetic3A_1007, %shift_left3A_1008 : i32
        %multiple_of3A_1010 = tpu.assume_multiple %shift_left3A_1009, 128 : i32
        %dma_start3A_1011 = arith.constant 15 : i32
        %dma_start3A_1012 = arith.constant 0 : i32
        %dma_start3A_1013 = arith.constant 0 : i32
        %dma_start3A_1014 = tpu.memref_slice %arg6[%dma_start3A_1011, %dma_start3A_1012, %dma_start3A_1013] : memref<16x32x128xf32, #tpu.memory_space<vmem>> -> memref<1x32x128xf32, #tpu.memory_space<vmem>>
        %dma_start3A_1015 = tpu.memref_squeeze %dma_start3A_1014 : memref<1x32x128xf32, #tpu.memory_space<vmem>> -> memref<32x128xf32, #tpu.memory_space<vmem>>
        %dma_start3A_1016 = arith.constant 0 : i32
        %dma_start3A_1017 = tpu.memref_slice %arg2[%dma_start3A_1016, %multiple_of3A_1010] : memref<32x1000000xf32, #tpu.memory_space<hbm>> -> memref<32x128xf32, #tpu.memory_space<hbm>>
        %dma_start3A_1018 = arith.constant 0 : i32
        %dma_start3A_1019 = arith.constant 0 : i32
        %dma_start3A_1020 = tpu.memref_slice %arg6[%dma_start3A_1011, %dma_start3A_1018, %dma_start3A_1019] : memref<16x32x128xf32, #tpu.memory_space<vmem>> -> memref<1x32x128xf32, #tpu.memory_space<vmem>>
        %dma_start3A_1021 = tpu.memref_squeeze %dma_start3A_1020 : memref<1x32x128xf32, #tpu.memory_space<vmem>> -> memref<32x128xf32, #tpu.memory_space<vmem>>
        %dma_start3A_1022 = arith.constant 0 : i32
        %dma_start3A_1023 = tpu.memref_slice %arg2[%dma_start3A_1022, %multiple_of3A_1010] : memref<32x1000000xf32, #tpu.memory_space<hbm>> -> memref<32x128xf32, #tpu.memory_space<hbm>>
        tpu.enqueue_dma source(%dma_start3A_1023 : memref<32x128xf32, #tpu.memory_space<hbm>>) target(%dma_start3A_1021 : memref<32x128xf32, #tpu.memory_space<vmem>>) target_semaphore(%arg23 : memref<!tpu.dma_semaphore, #tpu.memory_space<semaphore_mem>>)
      } else {
      }
    }
    %scan3A_324 = arith.constant 32 : i32
    "tpu.region"() ({
      %run_scoped3A = tpu.sem_alloc : memref<!tpu.dma_semaphore, #tpu.memory_space<semaphore_mem>>
      %dma_start3A_325 = arith.constant 0 : i32
      %dma_start3A_326 = tpu.memref_slice %arg4[%dma_start3A_325, %mul3A_2] : memref<32x16384xf32, #tpu.memory_space<hbm>> -> memref<32x512xf32, #tpu.memory_space<hbm>>
      %dma_start3A_327 = arith.constant 0 : i32
      %dma_start3A_328 = tpu.memref_slice %arg4[%dma_start3A_327, %mul3A_2] : memref<32x16384xf32, #tpu.memory_space<hbm>> -> memref<32x512xf32, #tpu.memory_space<hbm>>
      tpu.enqueue_dma source(%arg7 : memref<32x512xf32, #tpu.memory_space<vmem>>) target(%dma_start3A_328 : memref<32x512xf32, #tpu.memory_space<hbm>>) target_semaphore(%run_scoped3A : memref<!tpu.dma_semaphore, #tpu.memory_space<semaphore_mem>>)
      %dma_wait3A = arith.constant 0 : i32
      %dma_wait3A_329 = tpu.memref_slice %arg4[%dma_wait3A, %mul3A_2] : memref<32x16384xf32, #tpu.memory_space<hbm>> -> memref<32x512xf32, #tpu.memory_space<hbm>>
      %dma_wait3A_330 = arith.constant 0 : i32
      %dma_wait3A_331 = tpu.memref_slice %arg4[%dma_wait3A_330, %mul3A_2] : memref<32x16384xf32, #tpu.memory_space<hbm>> -> memref<32x512xf32, #tpu.memory_space<hbm>>
      tpu.wait_dma2 semaphore(%run_scoped3A : memref<!tpu.dma_semaphore, #tpu.memory_space<semaphore_mem>>) src(%arg7 : memref<32x512xf32, #tpu.memory_space<vmem>>) dst(%dma_wait3A_331 : memref<32x512xf32, #tpu.memory_space<hbm>>)
      tpu.yield
    }) : () -> ()
    return
  }
}

</mosaic_0001>

<sc_bundles>
// kernel: kernel.3.cloned.1.call-start
scs
__scs_entry_jumppad:
0x0: {  	(pc) =	sbr.rel $0x88, $3  }
0x1: {  	(tag) =	ssettag $0x0;
	lr =	simm.s32 $0x1  }
0x2: {  	[smem:$0x3F9F] =	sst lr;
	_ =	strace $0xD0000000  }
0x3: {  	_ = 	snop  }
0x4: {  	_ = 	snop  }
0x5: {  	_ = 	snop  }
0x6: {  	_ = 	snop  }
0x7: {  	_ = 	snop  }
__scs_overlays_trampoline_lowered:
0x8: {  	[smem:$0x3FAE] =	sst s0  }
0x9: {  	[smem:$0x3FAF] =	sst s1  }
0xa: {  	[smem:$0x3FB0] =	sst s2  }
0xb: {  	[smem:$0x3FB1] =	sst s3  }
0xc: {  	[smem:$0x3FB2] =	sst s4  }
0xd: {  	[smem:$0x3FB3] =	sst s5  }
0xe: {  	[smem:$0x3FB4] =	sst s6  }
0xf: {  	[smem:$0x3FB5] =	sst s7  }
0x10: {  	[smem:$0x3FB6] =	sst s8  }
0x11: {  	[smem:$0x3FB7] =	sst s9;
	s0 =	simm.s32 @!p0 $0x0  }
0x12: {  	s1 =	sld [smem:$0x3F9D];
	s0 =	simm.s32 @p0 $0x1  }
0x13: {  	[smem:$0x3FB8] =	sst s0;
	s0 =	simm.s32 @!p1 $0x0  }
0x14: {  	s2 =	sld [smem:$0x3F9C];
	s0 =	simm.s32 @p1 $0x1  }
0x15: {  	[smem:$0x3FB9] =	sst s0;
	s0 =	simm.s32 @!p2 $0x0  }
0x16: {  	s3 =	sld [smem:$0x3FDB];
	s0 =	simm.s32 @p2 $0x1  }
0x17: {  	s4 =	simm.s32 $0x1BF5;
	[smem:$0x3FBB] =	sst s0  }
0x18: {  	s0 =	sld [smem:$0x3F9E];
	_ =	swait.ge [sflag:s4], $0x0  }
0x19: {  	s7 =	sld [smem:$0x3F9F]  }
0x1a: {  	s8 =	sadd.s32 $0xFFFFE003, lr  }
0x1b: {  	s9 =	sadd.s32 $0xFFFFFEF7, lr;
	s5 =	simm.s32 $0xFFFFFFFF;
	p2 =	slt.u32 s8, $0xFFFFF086  }
0x1c: {  	p1 =	slt.u32 s9, $0xF7A;
	s5 =	simm.s32 @!p2 $0x0  }
0x1d: {  	s5 =	simm.s32 @p1 $0x1;
	p0 =	seq.s32 s7, s2  }
0x1e: {  	s7 =	smul.u32 @!p0 $0xF7A, s2;
	p2 =	seq.s32 @!p0 s5, $0x0  }
0x1f: {  	s9 =	smul.u32 $0xF7A, s1;
	s8 =	simm.s32 @!p0 $0x1BF5;
	p2 =	por !p2, p0  }
0x20: {  	[sflag:s8] =	ssyncset.s32 @!p0 $0xFFFFF086;
	s6 =	sadd.s32 @!p0 s3, s7;
	s7 =	simm.s32 @!p0 $0x108  }
0x21: {  	s3 =	sadd.s32 s3, s9;
	s6 =	sadd.s32 @!p0 $0x88, s6;
	s7 =	simm.s32 @p2 $0x1082  }
0x22: {  	[simem:s7], [sflag:s8] =	dma.local @!p0 [hbm:s6], $0xF7A  }
0x23: {  	s9 =	sor.u32 $0xD0000000, s2;
	s6 =	simm.s32 $0x108;
	_ =	swait.ge @!p0 [sflag:s8], $0x0  }
0x24: {  	s3 =	sadd.s32 $0x88, s3;
	s6 =	simm.s32 @!p1 $0x1082;
	[sflag:s4] =	ssyncset.s32 $0xFFFFF086  }
0x25: {  	[simem:s6], [sflag:s4] =	dma.local [hbm:s3], $0xF7A  }
0x26: {  	[smem:$0x3F9F] =	sst s1;
	(tag) =	ssettag s2;
	_ =	strace s9  }
0x27: {  	s1 =	sld [smem:$0x3FAF]  }
0x28: {  	s2 =	sld [smem:$0x3FB0]  }
0x29: {  	s4 =	sld [smem:$0x3FB2]  }
0x2a: {  	p0 =	seq.s32 s5, $0x0;
	s5 =	sld [smem:$0x3FB3]  }
0x2b: {  	s6 =	sld [smem:$0x3FB4]  }
0x2c: {  	s7 =	sld [smem:$0x3FB5]  }
0x2d: {  	s3 =	simm.s32 $0x108;
	s8 =	sld [smem:$0x3FB6]  }
0x2e: {  	s3 =	simm.s32 @!p0 $0x1082;
	s9 =	sld [smem:$0x3FB7]  }
0x2f: {  	lr =	sadd.s32 s0, s3;
	s0 =	sld [smem:$0x3FAE]  }
0x30: {  	s3 =	sld [smem:$0x3FB1]  }
0x31: {  	[smem:$0x3FBA] =	sst s10  }
0x32: {  	s10 =	sld [smem:$0x3FB8];
	_ =	sdelay $0x3  }
0x33: {  	p0 =	seq.s32 s10, $0x1;
	s10 =	sld [smem:$0x3FBA];
	_ =	sdelay $0x3  }
0x34: {  	[smem:$0x3FBA] =	sst s10  }
0x35: {  	s10 =	sld [smem:$0x3FB9];
	_ =	sdelay $0x3  }
0x36: {  	p1 =	seq.s32 s10, $0x1;
	s10 =	sld [smem:$0x3FBA];
	_ =	sdelay $0x3  }
0x37: {  	[smem:$0x3FBA] =	sst s10  }
0x38: {  	s10 =	sld [smem:$0x3FBB]  }
0x39: {  	_ = 	snop;
	(pc) =	sbr.ind lr, $3  }
0x3a: {  	_ = 	snop  }
0x3b: {  	_ = 	snop  }
0x3c: {  	p2 =	seq.s32 s10, $0x1;
	s10 =	sld [smem:$0x3FBA]  }
0x3d: {  	_ =	shalt  }
0x3e: {  	_ =	shalt  }
0x3f: {  	_ =	shalt  }
0x40: {  	_ =	shalt  }
0x41: {  	_ =	shalt  }
0x42: {  	_ =	shalt  }
0x43: {  	_ =	shalt  }
0x44: {  	_ =	shalt  }
0x45: {  	_ =	shalt  }
0x46: {  	_ =	shalt  }
0x47: {  	_ =	shalt  }
0x48: {  	_ =	shalt  }
0x49: {  	_ =	shalt  }
0x4a: {  	_ =	shalt  }
0x4b: {  	_ =	shalt  }
0x4c: {  	_ =	shalt  }
0x4d: {  	_ =	shalt  }
0x4e: {  	_ =	shalt  }
0x4f: {  	_ =	shalt  }
0x50: {  	_ =	shalt  }
0x51: {  	_ =	shalt  }
0x52: {  	_ =	shalt  }
0x53: {  	_ =	shalt  }
0x54: {  	_ =	shalt  }
0x55: {  	_ =	shalt  }
0x56: {  	_ =	shalt  }
0x57: {  	_ =	shalt  }
0x58: {  	_ =	shalt  }
0x59: {  	_ =	shalt  }
0x5a: {  	_ =	shalt  }
0x5b: {  	_ =	shalt  }
0x5c: {  	_ =	shalt  }
0x5d: {  	_ =	shalt  }
0x5e: {  	_ =	shalt  }
0x5f: {  	_ =	shalt  }
0x60: {  	_ =	shalt  }
0x61: {  	_ =	shalt  }
0x62: {  	_ =	shalt  }
0x63: {  	_ =	shalt  }
0x64: {  	_ =	shalt  }
0x65: {  	_ =	shalt  }
0x66: {  	_ =	shalt  }
0x67: {  	_ =	shalt  }
0x68: {  	_ =	shalt  }
0x69: {  	_ =	shalt  }
0x6a: {  	_ =	shalt  }
0x6b: {  	_ =	shalt  }
0x6c: {  	_ =	shalt  }
0x6d: {  	_ =	shalt  }
0x6e: {  	_ =	shalt  }
0x6f: {  	_ =	shalt  }
0x70: {  	_ =	shalt  }
0x71: {  	_ =	shalt  }
0x72: {  	_ =	shalt  }
0x73: {  	_ =	shalt  }
0x74: {  	_ =	shalt  }
0x75: {  	_ =	shalt  }
0x76: {  	_ =	shalt  }
0x77: {  	_ =	shalt  }
0x78: {  	_ =	shalt  }
0x79: {  	_ =	shalt  }
0x7a: {  	_ =	shalt  }
0x7b: {  	_ =	shalt  }
0x7c: {  	_ =	shalt  }
0x7d: {  	_ =	shalt  }
0x7e: {  	_ =	shalt  }
0x7f: {  	_ =	shalt  }
0x80: {  	_ =	shalt  }
0x81: {  	_ =	shalt  }
0x82: {  	_ =	shalt  }
0x83: {  	_ =	shalt  }
0x84: {  	_ =	shalt  }
0x85: {  	_ =	shalt  }
0x86: {  	_ =	shalt  }
0x87: {  	_ =	shalt  }
.Lfunc_end0:
.L_simem_size_0:
called_computation_lowered:
.L_overlay_start_0:
0x88: {  	s2 =	sld [smem:$0x3FD9]  }
0x89: {  	s3 =	sld [smem:$0x3FFE];
	_ =	sdelay $0x1  }
0x8a: {  	s1 =	srdreg.scid  }
0x8b: {  	s0 =	sand.u32 $0x1, s1  }
0x8c: {  	s18 =	sshll.u32 s0, $0xA;
	s2 =	sadd.s32 s3, s2  }
0x8d: {  	s2 =	sadd.s32 s2, s18  }
0x8e: {  	[smem:$0x3FC6] =	sst s2  }
0x8f: {  	_ = 	snop  }
0x90: {  	s2 =	sld [smem:$0x3FC9]  }
0x91: {  	s19 =	sld [smem:$0x3FC8]  }
0x92: {  	s4 =	sld [smem:$0x3FD0];
	(tm) =	ssettm $0x1  }
0x93: {  	s5 =	sld [smem:$0x3FFB];
	_ =	sdelay $0x3  }
0x94: {  	_ =	strace s5  }
0x95: {  	s5 =	sld [smem:$0x3FFC];
	_ =	sdelay $0x3  }
0x96: {  	_ =	strace s5  }
0x97: {  	s5 =	sld [smem:$0x3FFD];
	_ =	sdelay $0x3  }
0x98: {  	_ =	strace s5  }
0x99: {  	_ =	strace $0x8FFFFFFF  }
0x9a: {  	s20 =	sld [smem:$0x3FDB];
	_ =	sdelay $0x1  }
0x9b: {  	s6 =	simm.s32 $_scs_section_size  }
0x9c: {  	s7 =	simm.s32 $_size__tile_overlayer_lowered;
	s8 =	simm.s32 $_tile_overlayer_lowered  }
0x9d: {  	s23 =	simm.s32 $0x1BFF;
	s22 =	sshll.u32 s8, $0x1;
	s5 =	sadd.s32 s6, s20  }
0x9e: {  	s9 =	simm.s32 $0x0;
	s21 =	sshll.u32 s7, $0x1;
	s7 =	sadd.s32 s22, s5  }
0x9f: {  	[timem:s9], [sflag:s23] =	dma.local [hbm:s7], s21  }
0xa0: {  	_ =	swait.ge [sflag:s23], s21  }
0xa1: {  	s6 =	ssub.s32 $0x0, s21;
	[sflag:s23] =	ssyncset.done $0x0  }
0xa2: {  	[sflag:s23] =	ssyncadd.s32 s6;
	_ =	sdelay $0x1  }
0xa3: {  	s24 =	simm.s32 $0x1B8B  }
0xa4: {  	_ =	swait.ge [sflag:s24], $0x1  }
0xa5: {  	[sflag:s24] =	ssyncset.done $0x0  }
0xa6: {  	s25 =	simm.s32 $0x1B8E;
	[sflag:s24] =	ssyncadd.s32 $0xFFFFFFFF  }
0xa7: {  	s26 =	simm.s32 $execute0_lowered;
	[smem:$0x3FD2] =	sst s25  }
0xa8: {  	s6 =	sshll.u32 s26, $0x1;
	_ =	strace $0x80000046;
	[dreg:$0x1] =	wrdreg $0xFFFFFFFF  }
0xa9: {  	s28 =	simm.s32 $_size_execute0_lowered;
	s5 =	sadd.s32 s5, s6;
	[dreg:$0x0] =	wrdreg $0x0  }
0xaa: {  	s6 =	sshll.u32 s28, $0x1;
	[dreg:$0x2] =	wrdreg s5  }
0xab: {  	[dreg:$0x3] =	wrdreg s6  }
0xac: {  	[dreg:$0x4] =	wrdreg $0xC0  }
0xad: {  	_ =	task [dreg:s9], $0x5FFFF  }
0xae: {  	[dreg:$0x1] =	wrdreg $0xFFFFFFFF  }
0xaf: {  	[dreg:$0x0] =	wrdreg $0x60  }
0xb0: {  	[dreg:$0x2] =	wrdreg s2  }
0xb1: {  	[dreg:$0x3] =	wrdreg s19  }
0xb2: {  	[dreg:$0x4] =	wrdreg s4  }
0xb3: {  	[dreg:$0x5] =	wrdreg $0x9  }
0xb4: {  	_ =	task.clear_ibuf [dreg:s9], $0x6FFFF;
	_ =	strace $0x90000046  }
0xb5: {  	s29 =	simm.s32 $0x9;
	_ =	strace $0x80000048  }
0xb6: {  	_ =	swait.ge [sflag:s29], $0x1  }
0xb7: {  	[sflag:s29] =	ssyncadd.s32 $0xFFFFFFFF  }
0xb8: {  	_ =	strace $0x90000048  }
0xb9: {  	_ =	sfence  }
0xba: {  	s30 =	sld [smem:$0x0];
	_ =	sdelay $0x2  }
0xbb: {  	s31 =	sshll.u32 s1, $0xD;
	s1 =	sshrl.u32 s1, $0x2  }
0xbc: {  	s3 =	sand.u32 $0x4000, s31;
	s1 =	sadd.s32 s1, s30  }
0xbd: {  	s0 =	sor.u32 s3, s0;
	s1 =	sshll.u32 s1, $0x11  }
0xbe: {  	s0 =	sor.u32 s1, s0  }
0xbf: {  	s0 =	sadd.s32 $0x8F2B, s0  }
0xc0: {  	[sflag:s0] =	ssyncadd.remote.s32 $0x1  }
0xc1: {  	_ =	sfence.sel $0xFFFF  }
0xc2: {  	[dreg:$0x0] =	wrdreg $0xFFFFFFFF;
	(pc) =	sbr.abs _section_cstart, $3  }
0xc3: {  	[dreg:$0x1] =	wrdreg $0xFFFFFFFF  }
0xc4: {  	_ =	task.clear_ibuf [dreg:s9], $0x2FFFF;
	_ =	strace $0x9FFFFFFF  }
0xc5: {  	(tm) =	ssettm $0x7FFFFFFF  }
tec
execute0_lowered:
.L_overlay_start_1:
0x0: {  	(tag) =	ssettag $0x1  }
0x1: {  	s1 =	rddreg [dreg:$0x0]  }
0x2: {  	s0 =	rddreg [dreg:$0x1];
	v0 =	vlaneseq.u32;
	v1 =	vimm.s32 $0x1380  }
0x3: {  	s2 =	rddreg [dreg:$0x2];
	s3 =	srdreg.scid;
	s6 =	simm.s32 $0x0;
	vm0 =	vcmask $0x300;
	v2 =	vimm.s32 $0x3380;
	vm1 =	vcmask $0x704  }
0x4: {  	s5 =	stileid.u32;
	s15 =	simm.s32 $0x11;
	vm15 =	vcmask $0xB08;
	s17 =	simm.s32 $0x200;
	v1 =	vsel vm0, $0x0, v1;
	v2 =	vsel vm0, $0x2000, v2  }
0x5: {  	vm4 =	vcmask $0xF0C;
	s18 =	simm.s32 $0x1200;
	s19 =	simm.s32 $0x2200;
	s20 =	simm.s32 $0x3200;
	v1 =	vsel vm1, $0x80, v1;
	v2 =	vsel vm1, $0x2080, v2  }
0x6: {  	vm5 =	vcmask $0x1310;
	s21 =	simm.s32 $0x4200;
	s22 =	simm.s32 $0x5200;
	s23 =	simm.s32 $0x6200;
	v1 =	vsel vm15, $0x100, v1;
	v2 =	vsel vm15, $0x2100, v2  }
0x7: {  	vm6 =	vcmask $0x1714;
	s28 =	simm.s32 $0x10200;
	s29 =	simm.s32 $0x2;
	s30 =	simm.s32 $0x3;
	v1 =	vsel vm4, $0x180, v1;
	v2 =	vsel vm4, $0x2180, v2  }
0x8: {  	vm7 =	vcmask $0x1B18;
	s31 =	simm.s32 $0x4;
	s7 =	simm.s32 $0xA;
	s8 =	simm.s32 $0xC;
	v1 =	vsel vm5, $0x200, v1;
	v2 =	vsel vm5, $0x2200, v2  }
0x9: {  	vm8 =	vcmask $0x1F1C;
	s9 =	simm.s32 $0xD;
	s10 =	simm.s32 $0xE;
	s11 =	simm.s32 $0xF;
	v1 =	vsel vm6, $0x280, v1;
	v2 =	vsel vm6, $0x2280, v2  }
0xa: {  	vm9 =	vcmask $0x2320;
	s12 =	simm.s32 $0x10;
	s14 =	simm.s32 $0x0;
	s3 =	sand.u32 $0x1, s3;
	v1 =	vsel vm7, $0x300, v1;
	v2 =	vsel vm7, $0x2300, v2  }
0xb: {  	vm10 =	vcmask $0x2724;
	s5 =	sshll.u32 s5, $0xA;
	[smem:$0x7FF] =	sst s6;
	s4 =	ssub.s32 $0x2, s3;
	v1 =	vsel vm8, $0x380, v1;
	v2 =	vsel vm8, $0x2380, v2  }
0xc: {  	vm11 =	vcmask $0x2B28;
	s6 =	simm.s32 $0xB;
	s3 =	sshll.u32 s3, $0x9;
	s24 =	sshrl.u32 s4, $0x1;
	v1 =	vsel vm9, $0x1000, v1;
	v2 =	vsel vm9, $0x3000, v2  }
0xd: {  	vm12 =	vcmask $0x2F2C;
	_ =	strace $0x80000047;
	s3 =	sor.u32 s3, s5;
	s4 =	ssub.s32 s4, s24;
	v1 =	vsel vm10, $0x1080, v1;
	v2 =	vsel vm10, $0x3080, v2  }
0xe: {  	vm13 =	vcmask $0x3330;
	s5 =	sshrl.u32 s3, $0x3;
	s25 =	sadd.s32 s2, s3;
	s24 =	simm.s32 $0x7200;
	v1 =	vsel vm11, $0x1100, v1;
	v2 =	vsel vm11, $0x3100, v2  }
0xf: {  	vm14 =	vcmask $0x3734;
	s2 =	simm.s32 $0x6;
	s3 =	simm.s32 $0x7;
	s0 =	sadd.s32 s0, s5;
	v1 =	vsel vm12, $0x1180, v1;
	v2 =	vsel vm12, $0x3180, v2  }
0x10: {  	v0 =	vmul.u32 $0x80, v0;
	[dreg:$0x5] =	wrdreg s25;
	s26 =	smax.u32 s4, $0x1;
	s25 =	simm.s32 $0x8200;
	v1 =	vsel vm13, $0x1200, v1;
	v2 =	vsel vm13, $0x3200, v2  }
0x11: {  	vm15 =	vcmask $0x3B38;
	s4 =	simm.s32 $0x8;
	s5 =	simm.s32 $0x9;
	[dreg:$0x4] =	wrdreg s0;
	v3 =	vsel vm14, $0x1280, v1;
	v4 =	vsel vm14, $0x3280, v2  }
0x12: {  	[dreg:$0x6] =	wrdreg s26;
	s26 =	simm.s32 $0x1;
	s0 =	simm.s32 $0x5;
	v1 =	vor.u32 $0x800, v0;
	v2 =	vsel vm15, $0x1300, v3;
	v3 =	vsel vm15, $0x3300, v4  }
.LBB2_1:
0x13: {  	[dreg:$0x7] =	wrdreg s14  }
0x14: {  	s13 =	simm.s32 $0x0;
	s16 =	rddreg [dreg:$0x4]  }
0x15: {  	[tilespmem:s13], [sflag:$0x11] =	stream.linear.gather [hbm4b:s16+s13], $0x200, $0x38;
	[tilespmem:$0x14200] =	vst v63  }
0x16: {  	_ =	swait.ge [sflag:s15], $0x200  }
0x17: {  	[sflag:s15] =	ssyncset.done $0x0  }
0x18: {  	[sflag:s15] =	ssyncadd.s32 $0xFFFFFE00  }
0x19: {  	v4 =	vld [tilespmem:$0x0];
	_ =	sdelay $0x4  }
0x1a: {  	(v2sf) =	vpush v4, $0x0;
	_ =	sdelay $0x1  }
0x1b: {  	(v2sf) =	vpush v4, $0x1;
	_ =	sdelay $0x4  }
0x1c: {  	(v2sf) =	vpush v4, $0x2;
	_ =	sdelay $0x3  }
0x1d: {  	(v2sf) =	vpush v4, $0x3;
	_ =	sdelay $0x3  }
0x1e: {  	s16 =	spop (v2sf);
	(v2sf) =	vpush v4, $0x4  }
0x1f: {  	s15 =	simm.s32 $0x400;
	s13 =	sand.u32 $0xFFFFF80, s16  }
0x20: {  	s16 =	simm.s32 $0x7A1400;
	s14 =	spop (v2sf);
	s13 =	sadd.s32 s1, s13  }
0x21: {  	[tilespmem:s17], [sflag:$0x1] =	stream.strided.gather [hbm4b:s13+s15], $0x1000, s16, s15, $0x38;
	[tilespmem:$0x14200] =	vst v63  }
0x22: {  	(v2sf) =	vpush v4, $0x5;
	s13 =	sand.u32 $0xFFFFF80, s14  }
0x23: {  	s13 =	sadd.s32 s1, s13  }
0x24: {  	[tilespmem:s18], [sflag:$0x2] =	stream.strided.gather [hbm4b:s13+s15], $0x1000, s16, s15, $0x38;
	[tilespmem:$0x14200] =	vst v63  }
0x25: {  	s18 =	spop (v2sf)  }
0x26: {  	(v2sf) =	vpush v4, $0x6;
	s13 =	sand.u32 $0xFFFFF80, s18  }
0x27: {  	s13 =	sadd.s32 s1, s13  }
0x28: {  	[tilespmem:s19], [sflag:$0x3] =	stream.strided.gather [hbm4b:s13+s15], $0x1000, s16, s15, $0x38;
	[tilespmem:$0x14200] =	vst v63  }
0x29: {  	s19 =	spop (v2sf)  }
0x2a: {  	(v2sf) =	vpush v4, $0x7;
	s13 =	sand.u32 $0xFFFFF80, s19  }
0x2b: {  	s13 =	sadd.s32 s1, s13  }
0x2c: {  	[tilespmem:s20], [sflag:$0x4] =	stream.strided.gather [hbm4b:s13+s15], $0x1000, s16, s15, $0x38;
	[tilespmem:$0x14200] =	vst v63  }
0x2d: {  	s20 =	spop (v2sf)  }
0x2e: {  	s13 =	sand.u32 $0xFFFFF80, s20  }
0x2f: {  	(v2sf) =	vpush v4, $0x8;
	s13 =	sadd.s32 s1, s13  }
0x30: {  	[tilespmem:s21], [sflag:$0x5] =	stream.strided.gather [hbm4b:s13+s15], $0x1000, s16, s15, $0x38;
	[tilespmem:$0x14200] =	vst v63  }
0x31: {  	s21 =	spop (v2sf);
	(v2sf) =	vpush v4, $0x9  }
0x32: {  	s13 =	sand.u32 $0xFFFFF80, s21  }
0x33: {  	s13 =	sadd.s32 s1, s13  }
0x34: {  	(v2sf) =	vpush v4, $0xA;
	[tilespmem:s22], [sflag:$0x6] =	stream.strided.gather [hbm4b:s13+s15], $0x1000, s16, s15, $0x38;
	[tilespmem:$0x14200] =	vst v63  }
0x35: {  	s22 =	spop (v2sf)  }
0x36: {  	(v2sf) =	vpush v4, $0xB;
	s13 =	sand.u32 $0xFFFFF80, s22  }
0x37: {  	s13 =	sadd.s32 s1, s13  }
0x38: {  	[tilespmem:s23], [sflag:$0x7] =	stream.strided.gather [hbm4b:s13+s15], $0x1000, s16, s15, $0x38;
	[tilespmem:$0x14200] =	vst v63  }
0x39: {  	s23 =	spop (v2sf);
	(v2sf) =	vpush v4, $0xC;
	_ =	sdelay $0x1  }
0x3a: {  	s13 =	sand.u32 $0xFFFFF80, s23  }
0x3b: {  	s13 =	sadd.s32 s1, s13  }
0x3c: {  	[tilespmem:s24], [sflag:$0x8] =	stream.strided.gather [hbm4b:s13+s15], $0x1000, s16, s15, $0x38;
	[tilespmem:$0x14200] =	vst v63  }
0x3d: {  	s14 =	spop (v2sf);
	(v2sf) =	vpush v4, $0xD  }
0x3e: {  	s13 =	sand.u32 $0xFFFFF80, s14  }
0x3f: {  	s13 =	sadd.s32 s1, s13;
	s18 =	spop (v2sf);
	(v2sf) =	vpush v4, $0xE  }
0x40: {  	[tilespmem:s25], [sflag:$0x9] =	stream.strided.gather [hbm4b:s13+s15], $0x1000, s16, s15, $0x38;
	[tilespmem:$0x14200] =	vst v63  }
0x41: {  	s13 =	sand.u32 $0xFFFFF80, s18  }
0x42: {  	s19 =	simm.s32 $0x9200;
	s20 =	spop (v2sf);
	(v2sf) =	vpush v4, $0xF;
	s13 =	sadd.s32 s1, s13  }
0x43: {  	[tilespmem:s19], [sflag:$0xA] =	stream.strided.gather [hbm4b:s13+s15], $0x1000, s16, s15, $0x38;
	[tilespmem:$0x14200] =	vst v63  }
0x44: {  	s13 =	sand.u32 $0xFFFFF80, s20;
	s21 =	spop (v2sf)  }
0x45: {  	s22 =	simm.s32 $0xA200;
	s13 =	sadd.s32 s1, s13;
	s23 =	sand.u32 $0xFFFFF80, s21  }
0x46: {  	[tilespmem:s22], [sflag:$0xB] =	stream.strided.gather [hbm4b:s13+s15], $0x1000, s16, s15, $0x38;
	[tilespmem:$0x14200] =	vst v63  }
0x47: {  	s25 =	simm.s32 $0xB200;
	s13 =	sadd.s32 s1, s23;
	s24 =	spop (v2sf)  }
0x48: {  	[tilespmem:s25], [sflag:$0xC] =	stream.strided.gather [hbm4b:s13+s15], $0x1000, s16, s15, $0x38;
	[tilespmem:$0x14200] =	vst v63  }
0x49: {  	s18 =	sand.u32 $0xFFFFF80, s24  }
0x4a: {  	s20 =	simm.s32 $0xC200;
	s13 =	sadd.s32 s1, s18  }
0x4b: {  	[tilespmem:s20], [sflag:$0xD] =	stream.strided.gather [hbm4b:s13+s15], $0x1000, s16, s15, $0x38;
	[tilespmem:$0x14200] =	vst v63  }
0x4c: {  	s19 =	spop (v2sf)  }
0x4d: {  	s21 =	sand.u32 $0xFFFFF80, s19  }
0x4e: {  	s23 =	simm.s32 $0xD200;
	s13 =	sadd.s32 s1, s21;
	s22 =	spop (v2sf)  }
0x4f: {  	[tilespmem:s23], [sflag:$0xE] =	stream.strided.gather [hbm4b:s13+s15], $0x1000, s16, s15, $0x38;
	[tilespmem:$0x14200] =	vst v63  }
0x50: {  	s14 =	simm.s32 $0x0;
	s24 =	sand.u32 $0xFFFFF80, s22  }
0x51: {  	s20 =	simm.s32 $0xE200;
	s25 =	spop (v2sf);
	s13 =	sadd.s32 s1, s24  }
0x52: {  	[tilespmem:s20], [sflag:$0xF] =	stream.strided.gather [hbm4b:s13+s15], $0x1000, s16, s15, $0x38;
	[tilespmem:$0x14200] =	vst v63  }
0x53: {  	s19 =	simm.s32 $0x1200;
	s21 =	simm.s32 $0x3200;
	s13 =	sand.u32 $0xFFFFF80, s25  }
0x54: {  	s23 =	simm.s32 $0x5200;
	s22 =	simm.s32 $0xF200;
	s13 =	sadd.s32 s1, s13  }
0x55: {  	[tilespmem:s22], [sflag:$0x10] =	stream.strided.gather [hbm4b:s13+s15], $0x1000, s16, s15, $0x38;
	[tilespmem:$0x14200] =	vst v63  }
0x56: {  	s24 =	simm.s32 $0x6200;
	s25 =	simm.s32 $0x7200;
	s13 =	simm.s32 $0x0  }
.LBB2_2:
0x57: {  	v4 =	vld [tilespmem:s13+$0x0];
	_ =	sdelay $0x2  }
0x58: {  	s15 =	smin.u32 s14, $0x1E0  }
0x59: {  	v5 =	vld [tilespmem:s15+$0x10];
	_ =	swait.ge [sflag:s26], $0x1000  }
0x5a: {  	(v2sf) =	vpush v4, $0x0;
	_ =	sdelay $0x9  }
0x5b: {  	p0 =	seq.s32 s14, $0x1F0  }
0x5c: {  	(v2sf) =	vpush @!p0 v5, $0x0;
	_ =	sdelay $0x3  }
0x5d: {  	s16 =	spop (v2sf)  }
0x5e: {  	s15 =	sand.u32 $0x7F, s16  }
0x5f: {  	v6 =	vor.u32 s15, v0  }
0x60: {  	v7 =	vmov s14;
	v8 =	vor.u32 s15, v1  }
0x61: {  	v9 =	vshll.u32 v7, $0x3  }
0x62: {  	v7 =	vand.u32 $0x70, v7;
	[sflag:s26] =	ssyncset.done $0x0;
	v9 =	vand.u32 $0xC00, v9  }
0x63: {  	[sflag:s26] =	ssyncadd.s32 $0xFFFFF000;
	v7 =	vor.u32 v7, v9  }
0x64: {  	v9 =	vor.u32 v2, v7;
	v6 =	vld.idx.msk [tilespmem:v6+s17+$0x0], $0xffff  }
0x65: {  	v7 =	vor.u32 v3, v7;
	v8 =	vld.idx.msk [tilespmem:v8+s17+$0x0], $0xffff;
	_ =	sdelay $0x2  }
0x66: {  	s15 =	spop @!p0 (v2sf)  }
0x67: {  	s18 =	simm.s32 @!p0 $0x200;
	s15 =	sand.u32 @!p0 $0xFFFFF80, s15;
	[tilespmem:v9+s28+$0x0] =	vst.idx.msk $0xffff, v6  }
0x68: {  	s16 =	simm.s32 @!p0 $0x7A1400;
	s17 =	sadd.s32 @!p0 s1, s15;
	s15 =	simm.s32 @!p0 $0x400;
	[tilespmem:v7+s28+$0x0] =	vst.idx.msk $0xffff, v8  }
0x69: {  	[tilespmem:s18], [sflag:$0x1] =	stream.strided.gather @!p0 [hbm4b:s17+s15], $0x1000, s16, s15, $0x38;
	[tilespmem:$0x14200] =	vst v63  }
0x6a: {  	_ =	swait.ge [sflag:s29], $0x1000  }
0x6b: {  	(v2sf) =	vpush v4, $0x1;
	_ =	sdelay $0xa  }
0x6c: {  	(v2sf) =	vpush @!p0 v5, $0x1;
	_ =	sdelay $0x3  }
0x6d: {  	s18 =	spop (v2sf)  }
0x6e: {  	s17 =	sand.u32 $0x7F, s18  }
0x6f: {  	s18 =	sadd.s32 $0x1, s14;
	v58 =	vor.u32 s17, v0  }
0x70: {  	v59 =	vmov s18;
	v60 =	vor.u32 s17, v1  }
0x71: {  	v61 =	vshll.u32 v59, $0x3  }
0x72: {  	[sflag:s29] =	ssyncset.done $0x0;
	v7 =	vand.u32 $0x71, v59;
	v9 =	vand.u32 $0xC00, v61  }
0x73: {  	[sflag:s29] =	ssyncadd.s32 $0xFFFFF000;
	v7 =	vor.u32 v7, v9  }
0x74: {  	v9 =	vor.u32 v2, v7;
	v6 =	vld.idx.msk [tilespmem:v58+s19+$0x0], $0xffff  }
0x75: {  	v7 =	vor.u32 v3, v7;
	v8 =	vld.idx.msk [tilespmem:v60+s19+$0x0], $0xffff;
	_ =	sdelay $0x2  }
0x76: {  	s17 =	spop @!p0 (v2sf)  }
0x77: {  	s17 =	sand.u32 @!p0 $0xFFFFF80, s17;
	[tilespmem:v9+s28+$0x0] =	vst.idx.msk $0xffff, v6  }
0x78: {  	s18 =	simm.s32 @!p0 $0x1200;
	s17 =	sadd.s32 @!p0 s1, s17;
	[tilespmem:v7+s28+$0x0] =	vst.idx.msk $0xffff, v8  }
0x79: {  	[tilespmem:s18], [sflag:$0x2] =	stream.strided.gather @!p0 [hbm4b:s17+s15], $0x1000, s16, s15, $0x38;
	[tilespmem:$0x14200] =	vst v63  }
0x7a: {  	_ =	swait.ge [sflag:s30], $0x1000  }
0x7b: {  	(v2sf) =	vpush v4, $0x2;
	_ =	sdelay $0xa  }
0x7c: {  	(v2sf) =	vpush @!p0 v5, $0x2;
	_ =	sdelay $0x3  }
0x7d: {  	s18 =	spop (v2sf)  }
0x7e: {  	s17 =	sand.u32 $0x7F, s18  }
0x7f: {  	s18 =	sadd.s32 $0x2, s14;
	v62 =	vor.u32 s17, v0  }
0x80: {  	v63 =	vmov s18;
	v12 =	vor.u32 s17, v1  }
0x81: {  	v13 =	vshll.u32 v63, $0x3  }
0x82: {  	[sflag:s30] =	ssyncset.done $0x0;
	v7 =	vand.u32 $0x72, v63;
	v9 =	vand.u32 $0xC00, v13  }
0x83: {  	[sflag:s30] =	ssyncadd.s32 $0xFFFFF000;
	s18 =	simm.s32 $0x2200;
	v7 =	vor.u32 v7, v9  }
0x84: {  	v9 =	vor.u32 v2, v7;
	v6 =	vld.idx.msk [tilespmem:v62+s18+$0x0], $0xffff  }
0x85: {  	v7 =	vor.u32 v3, v7;
	v8 =	vld.idx.msk [tilespmem:v12+s18+$0x0], $0xffff;
	_ =	sdelay $0x2  }
0x86: {  	s17 =	spop @!p0 (v2sf)  }
0x87: {  	s17 =	sand.u32 @!p0 $0xFFFFF80, s17;
	[tilespmem:v9+s28+$0x0] =	vst.idx.msk $0xffff, v6  }
0x88: {  	s17 =	sadd.s32 @!p0 s1, s17;
	s18 =	simm.s32 @!p0 $0x2200;
	[tilespmem:v7+s28+$0x0] =	vst.idx.msk $0xffff, v8  }
0x89: {  	[tilespmem:s18], [sflag:$0x3] =	stream.strided.gather @!p0 [hbm4b:s17+s15], $0x1000, s16, s15, $0x38;
	[tilespmem:$0x14200] =	vst v63  }
0x8a: {  	_ =	swait.ge [sflag:s31], $0x1000  }
0x8b: {  	(v2sf) =	vpush v4, $0x3;
	_ =	sdelay $0xa  }
0x8c: {  	(v2sf) =	vpush @!p0 v5, $0x3;
	_ =	sdelay $0x3  }
0x8d: {  	s18 =	spop (v2sf)  }
0x8e: {  	s17 =	sand.u32 $0x7F, s18  }
0x8f: {  	s18 =	sadd.s32 $0x3, s14;
	v14 =	vor.u32 s17, v0  }
0x90: {  	v15 =	vmov s18;
	v16 =	vor.u32 s17, v1  }
0x91: {  	v17 =	vshll.u32 v15, $0x3  }
0x92: {  	[sflag:s31] =	ssyncset.done $0x0;
	v7 =	vand.u32 $0x73, v15;
	v9 =	vand.u32 $0xC00, v17  }
0x93: {  	[sflag:s31] =	ssyncadd.s32 $0xFFFFF000;
	v7 =	vor.u32 v7, v9  }
0x94: {  	v9 =	vor.u32 v2, v7;
	v6 =	vld.idx.msk [tilespmem:v14+s21+$0x0], $0xffff  }
0x95: {  	v7 =	vor.u32 v3, v7;
	v8 =	vld.idx.msk [tilespmem:v16+s21+$0x0], $0xffff;
	_ =	sdelay $0x2  }
0x96: {  	s17 =	spop @!p0 (v2sf)  }
0x97: {  	s17 =	sand.u32 @!p0 $0xFFFFF80, s17;
	[tilespmem:v9+s28+$0x0] =	vst.idx.msk $0xffff, v6  }
0x98: {  	s18 =	simm.s32 @!p0 $0x3200;
	s17 =	sadd.s32 @!p0 s1, s17;
	[tilespmem:v7+s28+$0x0] =	vst.idx.msk $0xffff, v8  }
0x99: {  	[tilespmem:s18], [sflag:$0x4] =	stream.strided.gather @!p0 [hbm4b:s17+s15], $0x1000, s16, s15, $0x38;
	[tilespmem:$0x14200] =	vst v63  }
0x9a: {  	_ =	swait.ge [sflag:s0], $0x1000  }
0x9b: {  	(v2sf) =	vpush v4, $0x4;
	_ =	sdelay $0xa  }
0x9c: {  	(v2sf) =	vpush @!p0 v5, $0x4;
	_ =	sdelay $0x3  }
0x9d: {  	s18 =	spop (v2sf)  }
0x9e: {  	s17 =	sand.u32 $0x7F, s18  }
0x9f: {  	s18 =	sadd.s32 $0x4, s14;
	v18 =	vor.u32 s17, v0  }
0xa0: {  	v19 =	vmov s18;
	v20 =	vor.u32 s17, v1  }
0xa1: {  	v21 =	vshll.u32 v19, $0x3  }
0xa2: {  	[sflag:s0] =	ssyncset.done $0x0;
	v7 =	vand.u32 $0x74, v19;
	v9 =	vand.u32 $0xC00, v21  }
0xa3: {  	[sflag:s0] =	ssyncadd.s32 $0xFFFFF000;
	s18 =	simm.s32 $0x4200;
	v7 =	vor.u32 v7, v9  }
0xa4: {  	v9 =	vor.u32 v2, v7;
	v6 =	vld.idx.msk [tilespmem:v18+s18+$0x0], $0xffff  }
0xa5: {  	v7 =	vor.u32 v3, v7;
	v8 =	vld.idx.msk [tilespmem:v20+s18+$0x0], $0xffff;
	_ =	sdelay $0x2  }
0xa6: {  	s17 =	spop @!p0 (v2sf)  }
0xa7: {  	s17 =	sand.u32 @!p0 $0xFFFFF80, s17;
	[tilespmem:v9+s28+$0x0] =	vst.idx.msk $0xffff, v6  }
0xa8: {  	s17 =	sadd.s32 @!p0 s1, s17;
	s18 =	simm.s32 @!p0 $0x4200;
	[tilespmem:v7+s28+$0x0] =	vst.idx.msk $0xffff, v8  }
0xa9: {  	[tilespmem:s18], [sflag:$0x5] =	stream.strided.gather @!p0 [hbm4b:s17+s15], $0x1000, s16, s15, $0x38;
	[tilespmem:$0x14200] =	vst v63  }
0xaa: {  	_ =	swait.ge [sflag:s2], $0x1000  }
0xab: {  	(v2sf) =	vpush v4, $0x5;
	_ =	sdelay $0xa  }
0xac: {  	(v2sf) =	vpush @!p0 v5, $0x5;
	_ =	sdelay $0x3  }
0xad: {  	s18 =	spop (v2sf)  }
0xae: {  	s17 =	sand.u32 $0x7F, s18  }
0xaf: {  	s18 =	sadd.s32 $0x5, s14;
	v22 =	vor.u32 s17, v0  }
0xb0: {  	v23 =	vmov s18;
	v24 =	vor.u32 s17, v1  }
0xb1: {  	v25 =	vshll.u32 v23, $0x3  }
0xb2: {  	[sflag:s2] =	ssyncset.done $0x0;
	v7 =	vand.u32 $0x75, v23;
	v9 =	vand.u32 $0xC00, v25  }
0xb3: {  	[sflag:s2] =	ssyncadd.s32 $0xFFFFF000;
	v7 =	vor.u32 v7, v9  }
0xb4: {  	v9 =	vor.u32 v2, v7;
	v6 =	vld.idx.msk [tilespmem:v22+s23+$0x0], $0xffff  }
0xb5: {  	v7 =	vor.u32 v3, v7;
	v8 =	vld.idx.msk [tilespmem:v24+s23+$0x0], $0xffff;
	_ =	sdelay $0x2  }
0xb6: {  	s17 =	spop @!p0 (v2sf)  }
0xb7: {  	s17 =	sand.u32 @!p0 $0xFFFFF80, s17;
	[tilespmem:v9+s28+$0x0] =	vst.idx.msk $0xffff, v6  }
0xb8: {  	s18 =	simm.s32 @!p0 $0x5200;
	s17 =	sadd.s32 @!p0 s1, s17;
	[tilespmem:v7+s28+$0x0] =	vst.idx.msk $0xffff, v8  }
0xb9: {  	[tilespmem:s18], [sflag:$0x6] =	stream.strided.gather @!p0 [hbm4b:s17+s15], $0x1000, s16, s15, $0x38;
	[tilespmem:$0x14200] =	vst v63  }
0xba: {  	_ =	swait.ge [sflag:s3], $0x1000  }
0xbb: {  	(v2sf) =	vpush v4, $0x6;
	_ =	sdelay $0xa  }
0xbc: {  	(v2sf) =	vpush @!p0 v5, $0x6;
	_ =	sdelay $0x3  }
0xbd: {  	s18 =	spop (v2sf)  }
0xbe: {  	s17 =	sand.u32 $0x7F, s18  }
0xbf: {  	s18 =	sadd.s32 $0x6, s14;
	v26 =	vor.u32 s17, v0  }
0xc0: {  	v27 =	vmov s18;
	v28 =	vor.u32 s17, v1  }
0xc1: {  	v29 =	vshll.u32 v27, $0x3  }
0xc2: {  	[sflag:s3] =	ssyncset.done $0x0;
	v7 =	vand.u32 $0x76, v27;
	v9 =	vand.u32 $0xC00, v29  }
0xc3: {  	[sflag:s3] =	ssyncadd.s32 $0xFFFFF000;
	v7 =	vor.u32 v7, v9  }
0xc4: {  	v9 =	vor.u32 v2, v7;
	v6 =	vld.idx.msk [tilespmem:v26+s24+$0x0], $0xffff  }
0xc5: {  	v7 =	vor.u32 v3, v7;
	v8 =	vld.idx.msk [tilespmem:v28+s24+$0x0], $0xffff;
	_ =	sdelay $0x2  }
0xc6: {  	s17 =	spop @!p0 (v2sf)  }
0xc7: {  	s17 =	sand.u32 @!p0 $0xFFFFF80, s17;
	[tilespmem:v9+s28+$0x0] =	vst.idx.msk $0xffff, v6  }
0xc8: {  	s18 =	simm.s32 @!p0 $0x6200;
	s17 =	sadd.s32 @!p0 s1, s17;
	[tilespmem:v7+s28+$0x0] =	vst.idx.msk $0xffff, v8  }
0xc9: {  	[tilespmem:s18], [sflag:$0x7] =	stream.strided.gather @!p0 [hbm4b:s17+s15], $0x1000, s16, s15, $0x38;
	[tilespmem:$0x14200] =	vst v63  }
0xca: {  	_ =	swait.ge [sflag:s4], $0x1000  }
0xcb: {  	(v2sf) =	vpush v4, $0x7;
	_ =	sdelay $0xa  }
0xcc: {  	(v2sf) =	vpush @!p0 v5, $0x7;
	_ =	sdelay $0x3  }
0xcd: {  	s18 =	spop (v2sf)  }
0xce: {  	s17 =	sand.u32 $0x7F, s18  }
0xcf: {  	s18 =	sadd.s32 $0x7, s14;
	v30 =	vor.u32 s17, v0  }
0xd0: {  	v31 =	vmov s18;
	v32 =	vor.u32 s17, v1  }
0xd1: {  	v33 =	vshll.u32 v31, $0x3  }
0xd2: {  	[sflag:s4] =	ssyncset.done $0x0;
	v7 =	vand.u32 $0x77, v31;
	v9 =	vand.u32 $0xC00, v33  }
0xd3: {  	[sflag:s4] =	ssyncadd.s32 $0xFFFFF000;
	v7 =	vor.u32 v7, v9  }
0xd4: {  	v9 =	vor.u32 v2, v7;
	v6 =	vld.idx.msk [tilespmem:v30+s25+$0x0], $0xffff  }
0xd5: {  	v7 =	vor.u32 v3, v7;
	v8 =	vld.idx.msk [tilespmem:v32+s25+$0x0], $0xffff;
	_ =	sdelay $0x2  }
0xd6: {  	s17 =	spop @!p0 (v2sf)  }
0xd7: {  	s17 =	sand.u32 @!p0 $0xFFFFF80, s17;
	[tilespmem:v9+s28+$0x0] =	vst.idx.msk $0xffff, v6  }
0xd8: {  	s18 =	simm.s32 @!p0 $0x7200;
	s17 =	sadd.s32 @!p0 s1, s17;
	[tilespmem:v7+s28+$0x0] =	vst.idx.msk $0xffff, v8  }
0xd9: {  	[tilespmem:s18], [sflag:$0x8] =	stream.strided.gather @!p0 [hbm4b:s17+s15], $0x1000, s16, s15, $0x38;
	[tilespmem:$0x14200] =	vst v63  }
0xda: {  	_ =	swait.ge [sflag:s5], $0x1000  }
0xdb: {  	(v2sf) =	vpush v4, $0x8;
	_ =	sdelay $0xa  }
0xdc: {  	(v2sf) =	vpush @!p0 v5, $0x8;
	_ =	sdelay $0x3  }
0xdd: {  	s18 =	spop (v2sf)  }
0xde: {  	s17 =	sand.u32 $0x7F, s18  }
0xdf: {  	s18 =	sadd.s32 $0x8, s14;
	v34 =	vor.u32 s17, v0  }
0xe0: {  	v35 =	vmov s18;
	v36 =	vor.u32 s17, v1  }
0xe1: {  	v37 =	vshll.u32 v35, $0x3  }
0xe2: {  	[sflag:s5] =	ssyncset.done $0x0;
	v7 =	vand.u32 $0x78, v35;
	v9 =	vand.u32 $0xC00, v37  }
0xe3: {  	[sflag:s5] =	ssyncadd.s32 $0xFFFFF000;
	s18 =	simm.s32 $0x8200;
	v7 =	vor.u32 v7, v9  }
0xe4: {  	v9 =	vor.u32 v2, v7;
	v6 =	vld.idx.msk [tilespmem:v34+s18+$0x0], $0xffff  }
0xe5: {  	v7 =	vor.u32 v3, v7;
	v8 =	vld.idx.msk [tilespmem:v36+s18+$0x0], $0xffff;
	_ =	sdelay $0x2  }
0xe6: {  	s17 =	spop @!p0 (v2sf)  }
0xe7: {  	s17 =	sand.u32 @!p0 $0xFFFFF80, s17;
	[tilespmem:v9+s28+$0x0] =	vst.idx.msk $0xffff, v6  }
0xe8: {  	s17 =	sadd.s32 @!p0 s1, s17;
	s18 =	simm.s32 @!p0 $0x8200;
	[tilespmem:v7+s28+$0x0] =	vst.idx.msk $0xffff, v8  }
0xe9: {  	[tilespmem:s18], [sflag:$0x9] =	stream.strided.gather @!p0 [hbm4b:s17+s15], $0x1000, s16, s15, $0x38;
	[tilespmem:$0x14200] =	vst v63  }
0xea: {  	_ =	swait.ge [sflag:s7], $0x1000  }
0xeb: {  	(v2sf) =	vpush v4, $0x9;
	_ =	sdelay $0xa  }
0xec: {  	(v2sf) =	vpush @!p0 v5, $0x9;
	_ =	sdelay $0x3  }
0xed: {  	s18 =	spop (v2sf)  }
0xee: {  	s17 =	sand.u32 $0x7F, s18  }
0xef: {  	s18 =	sadd.s32 $0x9, s14;
	v38 =	vor.u32 s17, v0  }
0xf0: {  	v39 =	vmov s18;
	v40 =	vor.u32 s17, v1  }
0xf1: {  	v41 =	vshll.u32 v39, $0x3  }
0xf2: {  	[sflag:s7] =	ssyncset.done $0x0;
	v7 =	vand.u32 $0x79, v39;
	v9 =	vand.u32 $0xC00, v41  }
0xf3: {  	[sflag:s7] =	ssyncadd.s32 $0xFFFFF000;
	s18 =	simm.s32 $0x9200;
	v7 =	vor.u32 v7, v9  }
0xf4: {  	v9 =	vor.u32 v2, v7;
	v6 =	vld.idx.msk [tilespmem:v38+s18+$0x0], $0xffff  }
0xf5: {  	v7 =	vor.u32 v3, v7;
	v8 =	vld.idx.msk [tilespmem:v40+s18+$0x0], $0xffff;
	_ =	sdelay $0x2  }
0xf6: {  	s17 =	spop @!p0 (v2sf)  }
0xf7: {  	s17 =	sand.u32 @!p0 $0xFFFFF80, s17;
	[tilespmem:v9+s28+$0x0] =	vst.idx.msk $0xffff, v6  }
0xf8: {  	s17 =	sadd.s32 @!p0 s1, s17;
	s18 =	simm.s32 @!p0 $0x9200;
	[tilespmem:v7+s28+$0x0] =	vst.idx.msk $0xffff, v8  }
0xf9: {  	[tilespmem:s18], [sflag:$0xA] =	stream.strided.gather @!p0 [hbm4b:s17+s15], $0x1000, s16, s15, $0x38;
	[tilespmem:$0x14200] =	vst v63  }
0xfa: {  	_ =	swait.ge [sflag:s6], $0x1000  }
0xfb: {  	(v2sf) =	vpush v4, $0xA;
	_ =	sdelay $0xa  }
0xfc: {  	(v2sf) =	vpush @!p0 v5, $0xA;
	_ =	sdelay $0x3  }
0xfd: {  	s18 =	spop (v2sf)  }
0xfe: {  	s17 =	sand.u32 $0x7F, s18  }
0xff: {  	s18 =	sadd.s32 $0xA, s14;
	v42 =	vor.u32 s17, v0  }
0x100: {  	v43 =	vmov s18;
	v44 =	vor.u32 s17, v1  }
0x101: {  	v45 =	vshll.u32 v43, $0x3  }
0x102: {  	[sflag:s6] =	ssyncset.done $0x0;
	v7 =	vand.u32 $0x7A, v43;
	v9 =	vand.u32 $0xC00, v45  }
0x103: {  	[sflag:s6] =	ssyncadd.s32 $0xFFFFF000;
	s18 =	simm.s32 $0xA200;
	v7 =	vor.u32 v7, v9  }
0x104: {  	v9 =	vor.u32 v2, v7;
	v6 =	vld.idx.msk [tilespmem:v42+s18+$0x0], $0xffff  }
0x105: {  	v7 =	vor.u32 v3, v7;
	v8 =	vld.idx.msk [tilespmem:v44+s18+$0x0], $0xffff;
	_ =	sdelay $0x2  }
0x106: {  	s17 =	spop @!p0 (v2sf)  }
0x107: {  	s17 =	sand.u32 @!p0 $0xFFFFF80, s17;
	[tilespmem:v9+s28+$0x0] =	vst.idx.msk $0xffff, v6  }
0x108: {  	s17 =	sadd.s32 @!p0 s1, s17;
	s18 =	simm.s32 @!p0 $0xA200;
	[tilespmem:v7+s28+$0x0] =	vst.idx.msk $0xffff, v8  }
0x109: {  	[tilespmem:s18], [sflag:$0xB] =	stream.strided.gather @!p0 [hbm4b:s17+s15], $0x1000, s16, s15, $0x38;
	[tilespmem:$0x14200] =	vst v63  }
0x10a: {  	_ =	swait.ge [sflag:s8], $0x1000  }
0x10b: {  	(v2sf) =	vpush v4, $0xB;
	_ =	sdelay $0xa  }
0x10c: {  	(v2sf) =	vpush @!p0 v5, $0xB;
	_ =	sdelay $0x3  }
0x10d: {  	s18 =	spop (v2sf)  }
0x10e: {  	s17 =	sand.u32 $0x7F, s18  }
0x10f: {  	s18 =	sadd.s32 $0xB, s14;
	v46 =	vor.u32 s17, v0  }
0x110: {  	v47 =	vmov s18;
	v48 =	vor.u32 s17, v1  }
0x111: {  	v49 =	vshll.u32 v47, $0x3  }
0x112: {  	[sflag:s8] =	ssyncset.done $0x0;
	v7 =	vand.u32 $0x7B, v47;
	v9 =	vand.u32 $0xC00, v49  }
0x113: {  	[sflag:s8] =	ssyncadd.s32 $0xFFFFF000;
	s18 =	simm.s32 $0xB200;
	v7 =	vor.u32 v7, v9  }
0x114: {  	v9 =	vor.u32 v2, v7;
	v6 =	vld.idx.msk [tilespmem:v46+s18+$0x0], $0xffff  }
0x115: {  	v7 =	vor.u32 v3, v7;
	v8 =	vld.idx.msk [tilespmem:v48+s18+$0x0], $0xffff;
	_ =	sdelay $0x2  }
0x116: {  	s17 =	spop @!p0 (v2sf)  }
0x117: {  	s17 =	sand.u32 @!p0 $0xFFFFF80, s17;
	[tilespmem:v9+s28+$0x0] =	vst.idx.msk $0xffff, v6  }
0x118: {  	s17 =	sadd.s32 @!p0 s1, s17;
	s18 =	simm.s32 @!p0 $0xB200;
	[tilespmem:v7+s28+$0x0] =	vst.idx.msk $0xffff, v8  }
0x119: {  	[tilespmem:s18], [sflag:$0xC] =	stream.strided.gather @!p0 [hbm4b:s17+s15], $0x1000, s16, s15, $0x38;
	[tilespmem:$0x14200] =	vst v63  }
0x11a: {  	_ =	swait.ge [sflag:s9], $0x1000  }
0x11b: {  	(v2sf) =	vpush v4, $0xC;
	_ =	sdelay $0xa  }
0x11c: {  	(v2sf) =	vpush @!p0 v5, $0xC;
	_ =	sdelay $0x3  }
0x11d: {  	s18 =	spop (v2sf)  }
0x11e: {  	s17 =	sand.u32 $0x7F, s18  }
0x11f: {  	s18 =	sadd.s32 $0xC, s14;
	v50 =	vor.u32 s17, v0  }
0x120: {  	v51 =	vmov s18;
	v52 =	vor.u32 s17, v1  }
0x121: {  	v53 =	vshll.u32 v51, $0x3  }
0x122: {  	[sflag:s9] =	ssyncset.done $0x0;
	v7 =	vand.u32 $0x7C, v51;
	v9 =	vand.u32 $0xC00, v53  }
0x123: {  	[sflag:s9] =	ssyncadd.s32 $0xFFFFF000;
	s18 =	simm.s32 $0xC200;
	v7 =	vor.u32 v7, v9  }
0x124: {  	v9 =	vor.u32 v2, v7;
	v6 =	vld.idx.msk [tilespmem:v50+s18+$0x0], $0xffff  }
0x125: {  	v7 =	vor.u32 v3, v7;
	v8 =	vld.idx.msk [tilespmem:v52+s18+$0x0], $0xffff;
	_ =	sdelay $0x2  }
0x126: {  	s17 =	spop @!p0 (v2sf)  }
0x127: {  	s17 =	sand.u32 @!p0 $0xFFFFF80, s17;
	[tilespmem:v9+s28+$0x0] =	vst.idx.msk $0xffff, v6  }
0x128: {  	s17 =	sadd.s32 @!p0 s1, s17;
	s18 =	simm.s32 @!p0 $0xC200;
	[tilespmem:v7+s28+$0x0] =	vst.idx.msk $0xffff, v8  }
0x129: {  	[tilespmem:s18], [sflag:$0xD] =	stream.strided.gather @!p0 [hbm4b:s17+s15], $0x1000, s16, s15, $0x38;
	[tilespmem:$0x14200] =	vst v63  }
0x12a: {  	_ =	swait.ge [sflag:s10], $0x1000  }
0x12b: {  	(v2sf) =	vpush v4, $0xD;
	_ =	sdelay $0xa  }
0x12c: {  	(v2sf) =	vpush @!p0 v5, $0xD;
	_ =	sdelay $0x3  }
0x12d: {  	s18 =	spop (v2sf)  }
0x12e: {  	s17 =	sand.u32 $0x7F, s18  }
0x12f: {  	s18 =	sadd.s32 $0xD, s14;
	v54 =	vor.u32 s17, v0  }
0x130: {  	v55 =	vmov s18;
	v56 =	vor.u32 s17, v1  }
0x131: {  	v57 =	vshll.u32 v55, $0x3  }
0x132: {  	[sflag:s10] =	ssyncset.done $0x0;
	v7 =	vand.u32 $0x7D, v55;
	v9 =	vand.u32 $0xC00, v57  }
0x133: {  	[sflag:s10] =	ssyncadd.s32 $0xFFFFF000;
	s18 =	simm.s32 $0xD200;
	v7 =	vor.u32 v7, v9  }
0x134: {  	v9 =	vor.u32 v2, v7;
	v6 =	vld.idx.msk [tilespmem:v54+s18+$0x0], $0xffff  }
0x135: {  	v7 =	vor.u32 v3, v7;
	v8 =	vld.idx.msk [tilespmem:v56+s18+$0x0], $0xffff;
	_ =	sdelay $0x2  }
0x136: {  	s17 =	spop @!p0 (v2sf)  }
0x137: {  	s17 =	sand.u32 @!p0 $0xFFFFF80, s17;
	[tilespmem:v9+s28+$0x0] =	vst.idx.msk $0xffff, v6  }
0x138: {  	s17 =	sadd.s32 @!p0 s1, s17;
	s18 =	simm.s32 @!p0 $0xD200;
	[tilespmem:v7+s28+$0x0] =	vst.idx.msk $0xffff, v8  }
0x139: {  	[tilespmem:s18], [sflag:$0xE] =	stream.strided.gather @!p0 [hbm4b:s17+s15], $0x1000, s16, s15, $0x38;
	[tilespmem:$0x14200] =	vst v63  }
0x13a: {  	_ =	swait.ge [sflag:s11], $0x1000  }
0x13b: {  	(v2sf) =	vpush v4, $0xE;
	_ =	sdelay $0xa  }
0x13c: {  	(v2sf) =	vpush @!p0 v5, $0xE;
	_ =	sdelay $0x3  }
0x13d: {  	s18 =	spop (v2sf)  }
0x13e: {  	s17 =	sand.u32 $0x7F, s18  }
0x13f: {  	s18 =	sadd.s32 $0xE, s14;
	v58 =	vor.u32 s17, v0  }
0x140: {  	v59 =	vmov s18;
	v60 =	vor.u32 s17, v1  }
0x141: {  	v61 =	vshll.u32 v59, $0x3  }
0x142: {  	[sflag:s11] =	ssyncset.done $0x0;
	v7 =	vand.u32 $0x7E, v59;
	v9 =	vand.u32 $0xC00, v61  }
0x143: {  	[sflag:s11] =	ssyncadd.s32 $0xFFFFF000;
	v7 =	vor.u32 v7, v9  }
0x144: {  	v9 =	vor.u32 v2, v7;
	v6 =	vld.idx.msk [tilespmem:v58+s20+$0x0], $0xffff  }
0x145: {  	v7 =	vor.u32 v3, v7;
	v8 =	vld.idx.msk [tilespmem:v60+s20+$0x0], $0xffff;
	_ =	sdelay $0x2  }
0x146: {  	s17 =	spop @!p0 (v2sf)  }
0x147: {  	s17 =	sand.u32 @!p0 $0xFFFFF80, s17;
	[tilespmem:v9+s28+$0x0] =	vst.idx.msk $0xffff, v6  }
0x148: {  	s18 =	simm.s32 @!p0 $0xE200;
	s17 =	sadd.s32 @!p0 s1, s17;
	[tilespmem:v7+s28+$0x0] =	vst.idx.msk $0xffff, v8  }
0x149: {  	[tilespmem:s18], [sflag:$0xF] =	stream.strided.gather @!p0 [hbm4b:s17+s15], $0x1000, s16, s15, $0x38;
	[tilespmem:$0x14200] =	vst v63  }
0x14a: {  	_ =	swait.ge [sflag:s12], $0x1000  }
0x14b: {  	(v2sf) =	vpush v4, $0xF;
	_ =	sdelay $0xa  }
0x14c: {  	(v2sf) =	vpush @!p0 v5, $0xF;
	_ =	sdelay $0x3  }
0x14d: {  	s18 =	spop (v2sf)  }
0x14e: {  	s17 =	sand.u32 $0x7F, s18  }
0x14f: {  	s18 =	sadd.s32 $0xF, s14;
	v4 =	vor.u32 s17, v0  }
0x150: {  	v5 =	vmov s18;
	v62 =	vor.u32 s17, v1  }
0x151: {  	v63 =	vshll.u32 v5, $0x3  }
0x152: {  	[sflag:s12] =	ssyncset.done $0x0;
	v5 =	vand.u32 $0x7F, v5;
	v7 =	vand.u32 $0xC00, v63  }
0x153: {  	[sflag:s12] =	ssyncadd.s32 $0xFFFFF000;
	v5 =	vor.u32 v5, v7  }
0x154: {  	v7 =	vor.u32 v2, v5;
	v4 =	vld.idx.msk [tilespmem:v4+s22+$0x0], $0xffff  }
0x155: {  	s14 =	sadd.s32 @!p0 $0x10, s14;
	v5 =	vor.u32 v3, v5;
	v6 =	vld.idx.msk [tilespmem:v62+s22+$0x0], $0xffff  }
0x156: {  	p1 =	sne.s32 @!p0 s14, $0x200  }
0x157: {  	p1 =	por p0, !p1  }
.Ltmp0:
0x158: {  	s17 =	spop @!p0 (v2sf);
	(pc) =	sbr.rel @!p1 .LBB2_2-.Ltmp0, $4  }
0x159: {  	s17 =	sand.u32 @!p0 $0xFFFFF80, s17;
	[tilespmem:v7+s28+$0x0] =	vst.idx.msk $0xffff, v4  }
0x15a: {  	s18 =	simm.s32 @!p0 $0xF200;
	s17 =	sadd.s32 @!p0 s1, s17;
	[tilespmem:v5+s28+$0x0] =	vst.idx.msk $0xffff, v6  }
0x15b: {  	[tilespmem:s18], [sflag:$0x10] =	stream.strided.gather @!p0 [hbm4b:s17+s15], $0x1000, s16, s15, $0x38;
	[tilespmem:$0x14200] =	vst v63  }
0x15c: {  	s13 =	sadd.s32 @!p0 $0x10, s13;
	s17 =	simm.s32 $0x200  }
0x15d: {  	s13 =	rddreg [dreg:$0x5];
	s14 =	simm.s32 $0x1000;
	s15 =	simm.s32 $0x20000  }
0x15e: {  	[hbm4b:s13+s14] =	stream.strided.scatter [tilespmem:s28], [sflag:$0x11], $0x4000, s15, s14, $0x38;
	[tilespmem:$0x14200] =	vst v63  }
0x15f: {  	s15 =	simm.s32 $0x11  }
0x160: {  	_ =	swait.ge [sflag:s15], $0x4000  }
0x161: {  	s24 =	rddreg [dreg:$0x7]  }
0x162: {  	s25 =	rddreg [dreg:$0x6];
	s14 =	sadd.s32 $0x1, s24  }
0x163: {  	p0 =	sne.s32 s14, s25  }
.Ltmp1:
0x164: {  	_ = 	snop;
	(pc) =	sbr.rel @p0 .LBB2_1-.Ltmp1, $4  }
0x165: {  	s18 =	simm.s32 $0x1200  }
0x166: {  	s19 =	simm.s32 $0x2200;
	s20 =	simm.s32 $0x3200;
	s21 =	simm.s32 $0x4200  }
0x167: {  	s22 =	simm.s32 $0x5200;
	s23 =	simm.s32 $0x6200;
	[sflag:s15] =	ssyncset.done $0x0  }
0x168: {  	[sflag:s15] =	ssyncadd.s32 $0xFFFFC000;
	s24 =	simm.s32 $0x7200;
	s25 =	simm.s32 $0x8200  }
0x169: {  	_ =	sfence.sel $0x180000  }
0x16a: {  	[bflag:$0x0] =	sbarrier.arrive $0xFFFF  }
0x16b: {  	_ =	strace $0x90000047  }
0x16c: {  	s0 =	stileid.u32;
	[bflag:$0x2] =	sbarrier.arrive $0xFFFF  }
0x16d: {  	p0 =	sne.s32 s0, $0x0;
	s0 =	rddreg [dreg:$0x3]  }
0x16e: {  	s0 =	sadd.s32 @!p0 $0x100000, s0  }
0x16f: {  	[sflag:s0] =	ssyncadd.tile.s32 @!p0 $0x1;
	_ =	shalt  }
.Lfunc_end2:
_tile_overlayer_lowered:
.L_overlay_start_2:
0x170: {  	(tag) =	ssettag $0x2  }
0x171: {  	s0 =	rddreg [dreg:$0x0];
	s2 =	stileid.u32  }
0x172: {  	s1 =	rddreg [dreg:$0x1];
	p0 =	sne.s32 s2, $0x0  }
0x173: {  	s3 =	rddreg [dreg:$0x2];
	[bflag:$0x3] =	sbarrier.arrive $0xFFFF;
	s2 =	simm.s32 @!p0 $0x1C11  }
0x174: {  	[timem:s3], [sflag:s2] =	dma.local @!p0 [hbm:s0], s1  }
0x175: {  	s0 =	simm.s32 @!p0 $0x11  }
0x176: {  	_ =	swait.ge @!p0 [sflag:s0], s1  }
0x177: {  	s1 =	ssub.s32 @!p0 $0x0, s1;
	[sflag:s0] =	ssyncset.done @!p0 $0x0  }
0x178: {  	[sflag:s0] =	ssyncadd.s32 @!p0 s1  }
0x179: {  	[bflag:$0x3] =	sbarrier.arrive $0xFFFF  }
0x17a: {  	_ =	shalt  }

</sc_bundles>
